<compile_context>
chip_gen: v7x
topology: tpu7x:2x2x1
jax: 0.10.2.dev20260603
libtpu: 0.0.44.dev20260713+nightly
codegen_flags: <defaults>
</compile_context>

<pallas_src>
import functools

import jax
import jax.numpy as jnp
from jax import lax
from jax.experimental import pallas as pl
from jax.experimental.pallas import tpu as pltpu
from jax.experimental.pallas import tpu_sc as plsc

D = 128
EDGE_BLK = 512
NODE_BLK = 1000
INTERPRET = False

NC = 2
NS = 16
GCH = 128
SCH = 128


def _sc_mesh():
    return plsc.VectorSubcoreMesh(core_axis_name="c", subcore_axis_name="s")


def _sc_gather(a_tab, b_tab, src, dst):
    e_pad = src.shape[0]
    n_ch = e_pad // (NC * NS * GCH)

    @functools.partial(
        pl.kernel,
        out_type=[jax.ShapeDtypeStruct((e_pad, D), jnp.float32),
                  jax.ShapeDtypeStruct((e_pad, D), jnp.float32)],
        mesh=_sc_mesh(),
        scratch_types=[
            pltpu.VMEM((GCH,), jnp.int32),
            pltpu.VMEM((GCH,), jnp.int32),
            pltpu.VMEM((GCH, D), jnp.float32),
            pltpu.VMEM((GCH, D), jnp.float32),
            pltpu.SemaphoreType.DMA,
            pltpu.SemaphoreType.DMA,
        ],
    )
    def k(a_hbm, b_hbm, src_hbm, dst_hbm, ga_hbm, gb_hbm,
          idxs_v, idxd_v, bufa, bufb, sema, semb):
        wid = lax.axis_index("s") * NC + lax.axis_index("c")
        base0 = wid * n_ch * GCH

        def body(j, carry):
            base = base0 + j * GCH
            pltpu.sync_copy(src_hbm.at[pl.ds(base, GCH)], idxs_v)
            pltpu.sync_copy(dst_hbm.at[pl.ds(base, GCH)], idxd_v)
            ca = pltpu.async_copy(a_hbm.at[idxs_v], bufa, sema)
            cb = pltpu.async_copy(b_hbm.at[idxd_v], bufb, semb)
            ca.wait()
            cb.wait()
            pltpu.sync_copy(bufa, ga_hbm.at[pl.ds(base, GCH)])
            pltpu.sync_copy(bufb, gb_hbm.at[pl.ds(base, GCH)])
            return carry

        lax.fori_loop(0, n_ch, body, 0)

    return k(a_tab, b_tab, src, dst)


def _tables_body(xs_ref, xd_ref, wl_ref, wr_ref, b_ref, a_ref, bt_ref):
    a_ref[...] = jnp.dot(xs_ref[...], wl_ref[...],
                         preferred_element_type=jnp.float32)
    bt_ref[...] = jnp.dot(xd_ref[...], wr_ref[...],
                          preferred_element_type=jnp.float32) + b_ref[...]


def _tables(xs, xd, wa, ba):
    n = xs.shape[0]
    wl = wa[:, :D].T
    wr = wa[:, D:].T
    grid = n // NODE_BLK
    return pl.pallas_call(
        _tables_body,
        grid=(grid,),
        in_specs=[
            pl.BlockSpec((NODE_BLK, D), lambda i: (i, 0)),
            pl.BlockSpec((NODE_BLK, D), lambda i: (i, 0)),
            pl.BlockSpec((D, D), lambda i: (0, 0)),
            pl.BlockSpec((D, D), lambda i: (0, 0)),
            pl.BlockSpec((1, D), lambda i: (0, 0)),
        ],
        out_specs=[
            pl.BlockSpec((NODE_BLK, D), lambda i: (i, 0)),
            pl.BlockSpec((NODE_BLK, D), lambda i: (i, 0)),
        ],
        out_shape=[
            jax.ShapeDtypeStruct((n, D), jnp.float32),
            jax.ShapeDtypeStruct((n, D), jnp.float32),
        ],
        interpret=INTERPRET,
    )(xs, xd, wl, wr, ba[None, :])


def _edge_body(n_edges, ga_ref, gb_ref, w2_ref, b2_ref, itau_ref,
               out_ref, w_ref):
    i = pl.program_id(0)
    h = jnp.maximum(ga_ref[...] + gb_ref[...], 0.0)
    m = jnp.dot(h, w2_ref[...], preferred_element_type=jnp.float32) + b2_ref[...]
    nrm = jnp.sqrt(jnp.sum(m * m, axis=1, keepdims=True))
    row = i * EDGE_BLK + jax.lax.broadcasted_iota(jnp.int32, (EDGE_BLK, 1), 0)
    w = jnp.where(row < n_edges, jnp.exp(-nrm * itau_ref[0, 0]), 0.0)
    out_ref[...] = m * w
    col = jax.lax.broadcasted_iota(jnp.int32, (EDGE_BLK, 16), 1)
    w_ref[...] = jnp.where(col == 0, w, 0.0)


def _edge_mlp(ga, gb, wb, bb, inv_tau, n_edges):
    e_pad = ga.shape[0]
    grid = e_pad // EDGE_BLK
    return pl.pallas_call(
        functools.partial(_edge_body, n_edges),
        grid=(grid,),
        in_specs=[
            pl.BlockSpec((EDGE_BLK, D), lambda i: (i, 0)),
            pl.BlockSpec((EDGE_BLK, D), lambda i: (i, 0)),
            pl.BlockSpec((D, D), lambda i: (0, 0)),
            pl.BlockSpec((1, D), lambda i: (0, 0)),
            pl.BlockSpec(memory_space=pltpu.SMEM),
        ],
        out_specs=[
            pl.BlockSpec((EDGE_BLK, D), lambda i: (i, 0)),
            pl.BlockSpec((EDGE_BLK, 16), lambda i: (i, 0)),
        ],
        out_shape=[
            jax.ShapeDtypeStruct((e_pad, D), jnp.float32),
            jax.ShapeDtypeStruct((e_pad, 16), jnp.float32),
        ],
        interpret=INTERPRET,
    )(ga, gb, wb.T, bb[None, :], inv_tau)


RED_NB = 1024
RED_EB = 512


def _reduce_body(dst_ref, num_ref, w_ref, outn_ref, outd_ref):
    i = pl.program_id(0)
    j = pl.program_id(1)

    @pl.when(j == 0)
    def _():
        outn_ref[...] = jnp.zeros_like(outn_ref)
        outd_ref[...] = jnp.zeros_like(outd_ref)

    node = i * RED_NB + jax.lax.broadcasted_iota(jnp.int32, (RED_NB, RED_EB), 0)
    oh = (node == dst_ref[...]).astype(jnp.bfloat16)
    outn_ref[...] += jnp.dot(oh, num_ref[...],
                             preferred_element_type=jnp.float32)
    outd_ref[...] += jnp.dot(oh, w_ref[...],
                             preferred_element_type=jnp.float32)


def _tc_reduce(num, wrow, dst, n_pad):
    e_pad = num.shape[0]
    grid = (n_pad // RED_NB, e_pad // RED_EB)
    return pl.pallas_call(
        _reduce_body,
        grid=grid,
        in_specs=[
            pl.BlockSpec((1, RED_EB), lambda i, j: (0, j)),
            pl.BlockSpec((RED_EB, D), lambda i, j: (j, 0)),
            pl.BlockSpec((RED_EB, 16), lambda i, j: (j, 0)),
        ],
        out_specs=[
            pl.BlockSpec((RED_NB, D), lambda i, j: (i, 0)),
            pl.BlockSpec((RED_NB, 16), lambda i, j: (i, 0)),
        ],
        out_shape=[
            jax.ShapeDtypeStruct((n_pad, D), jnp.float32),
            jax.ShapeDtypeStruct((n_pad, 16), jnp.float32),
        ],
        interpret=INTERPRET,
    )(dst[None, :], num.astype(jnp.bfloat16), wrow.astype(jnp.bfloat16))


def _finalize_body(accn_ref, accd_ref, old_ref, out_ref):
    num = accn_ref[...]
    den = accd_ref[:, 0][:, None]
    agg = num / jnp.where(den > 0, den, 1.0)
    out_ref[...] = jnp.where(den > 0, agg, old_ref[...])


def _finalize(accn, accd, old, blk):
    n = old.shape[0]
    grid = n // blk
    return pl.pallas_call(
        _finalize_body,
        grid=(grid,),
        in_specs=[
            pl.BlockSpec((blk, D), lambda i: (i, 0)),
            pl.BlockSpec((blk, 16), lambda i: (i, 0)),
            pl.BlockSpec((blk, D), lambda i: (i, 0)),
        ],
        out_specs=pl.BlockSpec((blk, D), lambda i: (i, 0)),
        out_shape=jax.ShapeDtypeStruct((n, D), jnp.float32),
        interpret=INTERPRET,
    )(accn, accd, old)


def _pad_idx(idx, e_pad):
    return jnp.concatenate(
        [idx, jnp.zeros((e_pad - idx.shape[0],), dtype=idx.dtype)])


def _stage(xs, xd, src, dst, wa, ba, wb, bb, inv_tau, old, num_dst):
    e = src.shape[0]
    e_pad = ((e + 8191) // 8192) * 8192
    src_p = _pad_idx(src, e_pad)
    dst_p = _pad_idx(dst, e_pad)
    a_tab, b_tab = _tables(xs, xd, wa, ba)
    ga, gb = _sc_gather(a_tab, b_tab, src_p, dst_p)
    num, wrow = _edge_mlp(ga, gb, wb, bb, inv_tau, e)
    n_pad = ((num_dst + 2047) // 2048) * 2048
    accn, accd = _tc_reduce(num, wrow, dst_p, n_pad)
    old_pad = jnp.pad(old, ((0, n_pad - num_dst), (0, 0)))
    return _finalize(accn, accd, old_pad, 1024)[:num_dst]


def kernel(tile_feat, rr_feat, edge_t2t, edge_rr2t, edge_t2rr, temperature,
           W1a, b1a, W1b, b1b, W2a, b2a, W2b, b2b, W3a, b3a, W3b, b3b):
    inv_tau = (1.0 / temperature).reshape(1, 1).astype(jnp.float32)
    n_tile = tile_feat.shape[0]
    n_rr = rr_feat.shape[0]
    tile = _stage(tile_feat, tile_feat, edge_t2t[0], edge_t2t[1],
                  W1a, b1a, W1b, b1b, inv_tau, tile_feat, n_tile)
    tile = _stage(rr_feat, tile, edge_rr2t[0], edge_rr2t[1],
                  W2a, b2a, W2b, b2b, inv_tau, tile, n_tile)
    rr = _stage(tile, rr_feat, edge_t2rr[0], edge_t2rr[1],
                W3a, b3a, W3b, b3b, inv_tau, rr_feat, n_rr)
    return tile, rr

# --- scband reference (transcript-rebuilt; emitter-appended) ---
"""Pipeline reference for scband-hetero-gnnlayer-89644557402630 (READ-ONLY COPY).

The authoritative reference and input builder live on the scoring server;
editing this copy changes nothing except your own understanding.
"""

import jax, jax.numpy as jnp
import numpy as np

N_TILE = 10000
N_RR = 10000
D = 128
H = 128
E_T2T = 160000
E_RR2T = 80000
E_T2RR = 80000


def _mlp(x, W1, b1, W2, b2):
    h = jax.nn.relu(x @ W1.T + b1)
    return h @ W2.T + b2


def _softmin_agg(msg, dst, num_dst, tau, old_feat):
    # per-destination softmin over message norms (DGL mailbox softmax over dim=1)
    norms = jnp.linalg.norm(msg, axis=-1)
    logits = -norms / tau
    count = jax.ops.segment_sum(jnp.ones_like(logits), dst, num_segments=num_dst)
    seg_max = jax.ops.segment_max(logits, dst, num_segments=num_dst)
    seg_max = jnp.where(count > 0, seg_max, 0.0)
    ex = jnp.exp(logits - seg_max[dst])
    denom = jax.ops.segment_sum(ex, dst, num_segments=num_dst)
    num = jax.ops.segment_sum(msg * ex[:, None], dst, num_segments=num_dst)
    agg = num / jnp.where(denom > 0, denom, 1.0)[:, None]
    # DGL UDF reduce: nodes with zero in-degree keep their original feature
    return jnp.where((count > 0)[:, None], agg, old_feat)


def _linear_params(key, fan_out, fan_in):
    k1, k2 = jax.random.split(key)
    bound = 1.0 / np.sqrt(fan_in)
    W = jax.random.uniform(k1, (fan_out, fan_in), dtype=jnp.float32, minval=-bound, maxval=bound)
    b = jax.random.uniform(k2, (fan_out,), dtype=jnp.float32, minval=-bound, maxval=bound)
    return W, b


def setup_inputs(seed: int = 0) -> dict:
    key = jax.random.key(seed)
    ks = jax.random.split(key, 12)
    inp = {}
    inp['tile_feat'] = jax.random.normal(ks[0], (N_TILE, D), dtype=jnp.float32)
    inp['rr_feat'] = jax.random.normal(ks[1], (N_RR, D), dtype=jnp.float32)
    inp['edge_t2t'] = jax.random.randint(ks[2], (2, E_T2T), 0, N_TILE, dtype=jnp.int32)
    inp['edge_rr2t'] = jnp.stack([
        jax.random.randint(ks[3], (E_RR2T,), 0, N_RR, dtype=jnp.int32),
        jax.random.randint(ks[4], (E_RR2T,), 0, N_TILE, dtype=jnp.int32)])
    inp['edge_t2rr'] = jnp.stack([
        jax.random.randint(ks[5], (E_T2RR,), 0, N_TILE, dtype=jnp.int32),
        jax.random.randint(ks[6], (E_T2RR,), 0, N_RR, dtype=jnp.int32)])
    inp['temperature'] = jnp.asarray(1.0, dtype=jnp.float32)
    # tile2tile_mlp: Linear(2*D+0 -> H), Linear(H -> H)
    inp['W1a'], inp['b1a'] = _linear_params(ks[7], H, 2 * D)
    inp['W1b'], inp['b1b'] = _linear_params(ks[8], H, H)
    # rr2tile_mlp: Linear(D_rr + D_tile -> H), Linear(H -> H)
    inp['W2a'], inp['b2a'] = _linear_params(ks[9], H, 2 * D)
    inp['W2b'], inp['b2b'] = _linear_params(ks[10], H, H)
    # tile2rr_mlp: Linear(D_tile + D_rr -> H), Linear(H -> H)
    inp['W3a'], inp['b3a'] = _linear_params(ks[11], H, 2 * D)
    inp['W3b'], inp['b3b'] = _linear_params(jax.random.fold_in(key, 99), H, H)
    return inp


def reference(tile_feat, rr_feat, edge_t2t, edge_rr2t, edge_t2rr, temperature,
              W1a, b1a, W1b, b1b, W2a, b2a, W2b, b2b, W3a, b3a, W3b, b3b):
    # etype tile_to_tile: msg = MLP([src_feat, dst_feat]); softmin aggregate to tile nodes
    src, dst = edge_t2t[0], edge_t2t[1]
    msg = _mlp(jnp.concatenate([tile_feat[src], tile_feat[dst]], axis=1), W1a, b1a, W1b, b1b)
    tile = _softmin_agg(msg, dst, N_TILE, temperature, tile_feat)
    # etype to_tile (rr -> tile): uses updated tile feats as dst
    src2, dst2 = edge_rr2t[0], edge_rr2t[1]
    msg2 = _mlp(jnp.concatenate([rr_feat[src2], tile[dst2]], axis=1), W2a, b2a, W2b, b2b)
    tile = _softmin_agg(msg2, dst2, N_TILE, temperature, tile)
    # etype to_rrnode (tile -> rr): uses updated tile feats as src
    src3, dst3 = edge_t2rr[0], edge_t2rr[1]
    msg3 = _mlp(jnp.concatenate([tile[src3], rr_feat[dst3]], axis=1), W3a, b3a, W3b, b3b)
    rr = _softmin_agg(msg3, dst3, N_RR, temperature, rr_feat)
    return tile, rr

if __name__ == "__main__":
    import jax
    _d = setup_inputs()
    print(jax.jit(kernel)(*tuple(_d.values())))

</pallas_src>

<mosaic_0001>
#map = affine_map<(d0, d1) -> (0, 0)>
#map1 = affine_map<(d0, d1) -> (0)>
module attributes {stable_mosaic.version = 14 : i64} {
  func.func @k(%arg0: i32, %arg1: i32, %arg2: memref<10000x128xf32, #tpu.memory_space<hbm>>, %arg3: memref<10000x128xf32, #tpu.memory_space<hbm>>, %arg4: memref<163840xi32, #tpu.memory_space<hbm>>, %arg5: memref<163840xi32, #tpu.memory_space<hbm>>, %arg6: memref<163840x128xf32, #tpu.memory_space<hbm>>, %arg7: memref<163840x128xf32, #tpu.memory_space<hbm>>, %arg8: memref<128xi32, #tpu.memory_space<vmem>>, %arg9: memref<128xi32, #tpu.memory_space<vmem>>, %arg10: memref<128x128xf32, #tpu.memory_space<vmem>>, %arg11: memref<128x128xf32, #tpu.memory_space<vmem>>, %arg12: memref<!tpu.dma_semaphore, #tpu.memory_space<semaphore_mem>>, %arg13: memref<!tpu.dma_semaphore, #tpu.memory_space<semaphore_mem>>) attributes {dimension_semantics = [#tpu.dimension_semantics<core_parallel>, #tpu.dimension_semantics<subcore_parallel>], iteration_bounds = array<i64: 2, 16>, scalar_prefetch = 0 : i64, scratch_operands = 6 : i64, tpu.core_type = #tpu.core_type<sc_vector_subcore>, window_params = [{transform_indices = #map}, {transform_indices = #map}, {transform_indices = #map1}, {transform_indices = #map1}, {transform_indices = #map}, {transform_indices = #map}]} {
    %mul3A = arith.constant 2 : i32
    %mul3A_0 = arith.muli %arg1, %mul3A : i32
    %add3A = arith.addi %mul3A_0, %arg0 : i32
    %mul3A_1 = arith.constant 40 : i32
    %mul3A_2 = arith.muli %add3A, %mul3A_1 : i32
    %mul3A_3 = arith.constant 128 : i32
    %mul3A_4 = arith.muli %mul3A_2, %mul3A_3 : i32
    %scan3A = arith.constant 0 : i32
    %scan3A_5 = arith.constant 0 : i32
    %scan3A_6 = arith.constant 40 : i32
    %scan3A_7 = arith.addi %scan3A_5, %scan3A_6 : i32
    %scan3A_8 = arith.constant 1 : i32
    scf.for %scan3A_10 = %scan3A_5 to %scan3A_7 step %scan3A_8  : i32 {
      %mul3A_11 = arith.constant 128 : i32
      %mul3A_12 = arith.muli %scan3A_10, %mul3A_11 : i32
      %add3A_13 = arith.addi %mul3A_4, %mul3A_12 : i32
      "tpu.region"() ({
        %run_scoped3A = tpu.sem_alloc : memref<!tpu.dma_semaphore, #tpu.memory_space<semaphore_mem>>
        %dma_start3A_24 = tpu.memref_slice %arg4[%add3A_13] : memref<163840xi32, #tpu.memory_space<hbm>> -> memref<128xi32, #tpu.memory_space<hbm>>
        %dma_start3A_25 = tpu.memref_slice %arg4[%add3A_13] : memref<163840xi32, #tpu.memory_space<hbm>> -> memref<128xi32, #tpu.memory_space<hbm>>
        tpu.enqueue_dma source(%dma_start3A_25 : memref<128xi32, #tpu.memory_space<hbm>>) target(%arg8 : memref<128xi32, #tpu.memory_space<vmem>>) target_semaphore(%run_scoped3A : memref<!tpu.dma_semaphore, #tpu.memory_space<semaphore_mem>>)
        %dma_wait3A_26 = tpu.memref_slice %arg4[%add3A_13] : memref<163840xi32, #tpu.memory_space<hbm>> -> memref<128xi32, #tpu.memory_space<hbm>>
        %dma_wait3A_27 = tpu.memref_slice %arg4[%add3A_13] : memref<163840xi32, #tpu.memory_space<hbm>> -> memref<128xi32, #tpu.memory_space<hbm>>
        tpu.wait_dma2 semaphore(%run_scoped3A : memref<!tpu.dma_semaphore, #tpu.memory_space<semaphore_mem>>) src(%dma_wait3A_27 : memref<128xi32, #tpu.memory_space<hbm>>) dst(%arg8 : memref<128xi32, #tpu.memory_space<vmem>>)
        tpu.yield
      }) : () -> ()
      "tpu.region"() ({
        %run_scoped3A = tpu.sem_alloc : memref<!tpu.dma_semaphore, #tpu.memory_space<semaphore_mem>>
        %dma_start3A_24 = tpu.memref_slice %arg5[%add3A_13] : memref<163840xi32, #tpu.memory_space<hbm>> -> memref<128xi32, #tpu.memory_space<hbm>>
        %dma_start3A_25 = tpu.memref_slice %arg5[%add3A_13] : memref<163840xi32, #tpu.memory_space<hbm>> -> memref<128xi32, #tpu.memory_space<hbm>>
        tpu.enqueue_dma source(%dma_start3A_25 : memref<128xi32, #tpu.memory_space<hbm>>) target(%arg9 : memref<128xi32, #tpu.memory_space<vmem>>) target_semaphore(%run_scoped3A : memref<!tpu.dma_semaphore, #tpu.memory_space<semaphore_mem>>)
        %dma_wait3A_26 = tpu.memref_slice %arg5[%add3A_13] : memref<163840xi32, #tpu.memory_space<hbm>> -> memref<128xi32, #tpu.memory_space<hbm>>
        %dma_wait3A_27 = tpu.memref_slice %arg5[%add3A_13] : memref<163840xi32, #tpu.memory_space<hbm>> -> memref<128xi32, #tpu.memory_space<hbm>>
        tpu.wait_dma2 semaphore(%run_scoped3A : memref<!tpu.dma_semaphore, #tpu.memory_space<semaphore_mem>>) src(%dma_wait3A_27 : memref<128xi32, #tpu.memory_space<hbm>>) dst(%arg9 : memref<128xi32, #tpu.memory_space<vmem>>)
        tpu.yield
      }) : () -> ()
      %dma_start3A = arith.constant 0 : i32
      %dma_start3A_14 = arith.constant 0 : i32
      %dma_start3A_15 = tpu.memref_slice %arg2[%dma_start3A, %dma_start3A_14] : memref<10000x128xf32, #tpu.memory_space<hbm>> -> memref<10000x128xf32, #tpu.memory_space<hbm>>
      tpu.enqueue_indirect_dma source(%dma_start3A_15 : memref<10000x128xf32, #tpu.memory_space<hbm>>) target(%arg10 : memref<128x128xf32, #tpu.memory_space<vmem>>) offsets(%arg8 : memref<128xi32, #tpu.memory_space<vmem>>) semaphore(%arg12 : memref<!tpu.dma_semaphore, #tpu.memory_space<semaphore_mem>>)
      %dma_start3A_16 = arith.constant 0 : i32
      %dma_start3A_17 = arith.constant 0 : i32
      %dma_start3A_18 = tpu.memref_slice %arg3[%dma_start3A_16, %dma_start3A_17] : memref<10000x128xf32, #tpu.memory_space<hbm>> -> memref<10000x128xf32, #tpu.memory_space<hbm>>
      tpu.enqueue_indirect_dma source(%dma_start3A_18 : memref<10000x128xf32, #tpu.memory_space<hbm>>) target(%arg11 : memref<128x128xf32, #tpu.memory_space<vmem>>) offsets(%arg9 : memref<128xi32, #tpu.memory_space<vmem>>) semaphore(%arg13 : memref<!tpu.dma_semaphore, #tpu.memory_space<semaphore_mem>>)
      %dma_wait3A = arith.constant 0 : i32
      %dma_wait3A_19 = arith.constant 0 : i32
      %dma_wait3A_20 = tpu.memref_slice %arg2[%dma_wait3A, %dma_wait3A_19] : memref<10000x128xf32, #tpu.memory_space<hbm>> -> memref<10000x128xf32, #tpu.memory_space<hbm>>
      tpu.wait_indirect_dma semaphore(%arg12 : memref<!tpu.dma_semaphore, #tpu.memory_space<semaphore_mem>>) src(%dma_wait3A_20 : memref<10000x128xf32, #tpu.memory_space<hbm>>) dst(%arg10 : memref<128x128xf32, #tpu.memory_space<vmem>>)
      %dma_wait3A_21 = arith.constant 0 : i32
      %dma_wait3A_22 = arith.constant 0 : i32
      %dma_wait3A_23 = tpu.memref_slice %arg3[%dma_wait3A_21, %dma_wait3A_22] : memref<10000x128xf32, #tpu.memory_space<hbm>> -> memref<10000x128xf32, #tpu.memory_space<hbm>>
      tpu.wait_indirect_dma semaphore(%arg13 : memref<!tpu.dma_semaphore, #tpu.memory_space<semaphore_mem>>) src(%dma_wait3A_23 : memref<10000x128xf32, #tpu.memory_space<hbm>>) dst(%arg11 : memref<128x128xf32, #tpu.memory_space<vmem>>)
      "tpu.region"() ({
        %run_scoped3A = tpu.sem_alloc : memref<!tpu.dma_semaphore, #tpu.memory_space<semaphore_mem>>
        %dma_start3A_24 = arith.constant 0 : i32
        %dma_start3A_25 = tpu.memref_slice %arg6[%add3A_13, %dma_start3A_24] : memref<163840x128xf32, #tpu.memory_space<hbm>> -> memref<128x128xf32, #tpu.memory_space<hbm>>
        %dma_start3A_26 = arith.constant 0 : i32
        %dma_start3A_27 = tpu.memref_slice %arg6[%add3A_13, %dma_start3A_26] : memref<163840x128xf32, #tpu.memory_space<hbm>> -> memref<128x128xf32, #tpu.memory_space<hbm>>
        tpu.enqueue_dma source(%arg10 : memref<128x128xf32, #tpu.memory_space<vmem>>) target(%dma_start3A_27 : memref<128x128xf32, #tpu.memory_space<hbm>>) target_semaphore(%run_scoped3A : memref<!tpu.dma_semaphore, #tpu.memory_space<semaphore_mem>>)
        %dma_wait3A_28 = arith.constant 0 : i32
        %dma_wait3A_29 = tpu.memref_slice %arg6[%add3A_13, %dma_wait3A_28] : memref<163840x128xf32, #tpu.memory_space<hbm>> -> memref<128x128xf32, #tpu.memory_space<hbm>>
        %dma_wait3A_30 = arith.constant 0 : i32
        %dma_wait3A_31 = tpu.memref_slice %arg6[%add3A_13, %dma_wait3A_30] : memref<163840x128xf32, #tpu.memory_space<hbm>> -> memref<128x128xf32, #tpu.memory_space<hbm>>
        tpu.wait_dma2 semaphore(%run_scoped3A : memref<!tpu.dma_semaphore, #tpu.memory_space<semaphore_mem>>) src(%arg10 : memref<128x128xf32, #tpu.memory_space<vmem>>) dst(%dma_wait3A_31 : memref<128x128xf32, #tpu.memory_space<hbm>>)
        tpu.yield
      }) : () -> ()
      "tpu.region"() ({
        %run_scoped3A = tpu.sem_alloc : memref<!tpu.dma_semaphore, #tpu.memory_space<semaphore_mem>>
        %dma_start3A_24 = arith.constant 0 : i32
        %dma_start3A_25 = tpu.memref_slice %arg7[%add3A_13, %dma_start3A_24] : memref<163840x128xf32, #tpu.memory_space<hbm>> -> memref<128x128xf32, #tpu.memory_space<hbm>>
        %dma_start3A_26 = arith.constant 0 : i32
        %dma_start3A_27 = tpu.memref_slice %arg7[%add3A_13, %dma_start3A_26] : memref<163840x128xf32, #tpu.memory_space<hbm>> -> memref<128x128xf32, #tpu.memory_space<hbm>>
        tpu.enqueue_dma source(%arg11 : memref<128x128xf32, #tpu.memory_space<vmem>>) target(%dma_start3A_27 : memref<128x128xf32, #tpu.memory_space<hbm>>) target_semaphore(%run_scoped3A : memref<!tpu.dma_semaphore, #tpu.memory_space<semaphore_mem>>)
        %dma_wait3A_28 = arith.constant 0 : i32
        %dma_wait3A_29 = tpu.memref_slice %arg7[%add3A_13, %dma_wait3A_28] : memref<163840x128xf32, #tpu.memory_space<hbm>> -> memref<128x128xf32, #tpu.memory_space<hbm>>
        %dma_wait3A_30 = arith.constant 0 : i32
        %dma_wait3A_31 = tpu.memref_slice %arg7[%add3A_13, %dma_wait3A_30] : memref<163840x128xf32, #tpu.memory_space<hbm>> -> memref<128x128xf32, #tpu.memory_space<hbm>>
        tpu.wait_dma2 semaphore(%run_scoped3A : memref<!tpu.dma_semaphore, #tpu.memory_space<semaphore_mem>>) src(%arg11 : memref<128x128xf32, #tpu.memory_space<vmem>>) dst(%dma_wait3A_31 : memref<128x128xf32, #tpu.memory_space<hbm>>)
        tpu.yield
      }) : () -> ()
    }
    %scan3A_9 = arith.constant 40 : i32
    return
  }
}

#map = affine_map<(d0, d1) -> (0, 0)>
#map1 = affine_map<(d0, d1) -> (0)>
module attributes {stable_mosaic.version = 14 : i64} {
  func.func @k(%arg0: i32, %arg1: i32, %arg2: memref<10000x128xf32, #tpu.memory_space<hbm>>, %arg3: memref<10000x128xf32, #tpu.memory_space<hbm>>, %arg4: memref<81920xi32, #tpu.memory_space<hbm>>, %arg5: memref<81920xi32, #tpu.memory_space<hbm>>, %arg6: memref<81920x128xf32, #tpu.memory_space<hbm>>, %arg7: memref<81920x128xf32, #tpu.memory_space<hbm>>, %arg8: memref<128xi32, #tpu.memory_space<vmem>>, %arg9: memref<128xi32, #tpu.memory_space<vmem>>, %arg10: memref<128x128xf32, #tpu.memory_space<vmem>>, %arg11: memref<128x128xf32, #tpu.memory_space<vmem>>, %arg12: memref<!tpu.dma_semaphore, #tpu.memory_space<semaphore_mem>>, %arg13: memref<!tpu.dma_semaphore, #tpu.memory_space<semaphore_mem>>) attributes {dimension_semantics = [#tpu.dimension_semantics<core_parallel>, #tpu.dimension_semantics<subcore_parallel>], iteration_bounds = array<i64: 2, 16>, scalar_prefetch = 0 : i64, scratch_operands = 6 : i64, tpu.core_type = #tpu.core_type<sc_vector_subcore>, window_params = [{transform_indices = #map}, {transform_indices = #map}, {transform_indices = #map1}, {transform_indices = #map1}, {transform_indices = #map}, {transform_indices = #map}]} {
    %mul3A = arith.constant 2 : i32
    %mul3A_0 = arith.muli %arg1, %mul3A : i32
    %add3A = arith.addi %mul3A_0, %arg0 : i32
    %mul3A_1 = arith.constant 20 : i32
    %mul3A_2 = arith.muli %add3A, %mul3A_1 : i32
    %mul3A_3 = arith.constant 128 : i32
    %mul3A_4 = arith.muli %mul3A_2, %mul3A_3 : i32
    %scan3A = arith.constant 0 : i32
    %scan3A_5 = arith.constant 0 : i32
    %scan3A_6 = arith.constant 20 : i32
    %scan3A_7 = arith.addi %scan3A_5, %scan3A_6 : i32
    %scan3A_8 = arith.constant 1 : i32
    scf.for %scan3A_10 = %scan3A_5 to %scan3A_7 step %scan3A_8  : i32 {
      %mul3A_11 = arith.constant 128 : i32
      %mul3A_12 = arith.muli %scan3A_10, %mul3A_11 : i32
      %add3A_13 = arith.addi %mul3A_4, %mul3A_12 : i32
      "tpu.region"() ({
        %run_scoped3A = tpu.sem_alloc : memref<!tpu.dma_semaphore, #tpu.memory_space<semaphore_mem>>
        %dma_start3A_24 = tpu.memref_slice %arg4[%add3A_13] : memref<81920xi32, #tpu.memory_space<hbm>> -> memref<128xi32, #tpu.memory_space<hbm>>
        %dma_start3A_25 = tpu.memref_slice %arg4[%add3A_13] : memref<81920xi32, #tpu.memory_space<hbm>> -> memref<128xi32, #tpu.memory_space<hbm>>
        tpu.enqueue_dma source(%dma_start3A_25 : memref<128xi32, #tpu.memory_space<hbm>>) target(%arg8 : memref<128xi32, #tpu.memory_space<vmem>>) target_semaphore(%run_scoped3A : memref<!tpu.dma_semaphore, #tpu.memory_space<semaphore_mem>>)
        %dma_wait3A_26 = tpu.memref_slice %arg4[%add3A_13] : memref<81920xi32, #tpu.memory_space<hbm>> -> memref<128xi32, #tpu.memory_space<hbm>>
        %dma_wait3A_27 = tpu.memref_slice %arg4[%add3A_13] : memref<81920xi32, #tpu.memory_space<hbm>> -> memref<128xi32, #tpu.memory_space<hbm>>
        tpu.wait_dma2 semaphore(%run_scoped3A : memref<!tpu.dma_semaphore, #tpu.memory_space<semaphore_mem>>) src(%dma_wait3A_27 : memref<128xi32, #tpu.memory_space<hbm>>) dst(%arg8 : memref<128xi32, #tpu.memory_space<vmem>>)
        tpu.yield
      }) : () -> ()
      "tpu.region"() ({
        %run_scoped3A = tpu.sem_alloc : memref<!tpu.dma_semaphore, #tpu.memory_space<semaphore_mem>>
        %dma_start3A_24 = tpu.memref_slice %arg5[%add3A_13] : memref<81920xi32, #tpu.memory_space<hbm>> -> memref<128xi32, #tpu.memory_space<hbm>>
        %dma_start3A_25 = tpu.memref_slice %arg5[%add3A_13] : memref<81920xi32, #tpu.memory_space<hbm>> -> memref<128xi32, #tpu.memory_space<hbm>>
        tpu.enqueue_dma source(%dma_start3A_25 : memref<128xi32, #tpu.memory_space<hbm>>) target(%arg9 : memref<128xi32, #tpu.memory_space<vmem>>) target_semaphore(%run_scoped3A : memref<!tpu.dma_semaphore, #tpu.memory_space<semaphore_mem>>)
        %dma_wait3A_26 = tpu.memref_slice %arg5[%add3A_13] : memref<81920xi32, #tpu.memory_space<hbm>> -> memref<128xi32, #tpu.memory_space<hbm>>
        %dma_wait3A_27 = tpu.memref_slice %arg5[%add3A_13] : memref<81920xi32, #tpu.memory_space<hbm>> -> memref<128xi32, #tpu.memory_space<hbm>>
        tpu.wait_dma2 semaphore(%run_scoped3A : memref<!tpu.dma_semaphore, #tpu.memory_space<semaphore_mem>>) src(%dma_wait3A_27 : memref<128xi32, #tpu.memory_space<hbm>>) dst(%arg9 : memref<128xi32, #tpu.memory_space<vmem>>)
        tpu.yield
      }) : () -> ()
      %dma_start3A = arith.constant 0 : i32
      %dma_start3A_14 = arith.constant 0 : i32
      %dma_start3A_15 = tpu.memref_slice %arg2[%dma_start3A, %dma_start3A_14] : memref<10000x128xf32, #tpu.memory_space<hbm>> -> memref<10000x128xf32, #tpu.memory_space<hbm>>
      tpu.enqueue_indirect_dma source(%dma_start3A_15 : memref<10000x128xf32, #tpu.memory_space<hbm>>) target(%arg10 : memref<128x128xf32, #tpu.memory_space<vmem>>) offsets(%arg8 : memref<128xi32, #tpu.memory_space<vmem>>) semaphore(%arg12 : memref<!tpu.dma_semaphore, #tpu.memory_space<semaphore_mem>>)
      %dma_start3A_16 = arith.constant 0 : i32
      %dma_start3A_17 = arith.constant 0 : i32
      %dma_start3A_18 = tpu.memref_slice %arg3[%dma_start3A_16, %dma_start3A_17] : memref<10000x128xf32, #tpu.memory_space<hbm>> -> memref<10000x128xf32, #tpu.memory_space<hbm>>
      tpu.enqueue_indirect_dma source(%dma_start3A_18 : memref<10000x128xf32, #tpu.memory_space<hbm>>) target(%arg11 : memref<128x128xf32, #tpu.memory_space<vmem>>) offsets(%arg9 : memref<128xi32, #tpu.memory_space<vmem>>) semaphore(%arg13 : memref<!tpu.dma_semaphore, #tpu.memory_space<semaphore_mem>>)
      %dma_wait3A = arith.constant 0 : i32
      %dma_wait3A_19 = arith.constant 0 : i32
      %dma_wait3A_20 = tpu.memref_slice %arg2[%dma_wait3A, %dma_wait3A_19] : memref<10000x128xf32, #tpu.memory_space<hbm>> -> memref<10000x128xf32, #tpu.memory_space<hbm>>
      tpu.wait_indirect_dma semaphore(%arg12 : memref<!tpu.dma_semaphore, #tpu.memory_space<semaphore_mem>>) src(%dma_wait3A_20 : memref<10000x128xf32, #tpu.memory_space<hbm>>) dst(%arg10 : memref<128x128xf32, #tpu.memory_space<vmem>>)
      %dma_wait3A_21 = arith.constant 0 : i32
      %dma_wait3A_22 = arith.constant 0 : i32
      %dma_wait3A_23 = tpu.memref_slice %arg3[%dma_wait3A_21, %dma_wait3A_22] : memref<10000x128xf32, #tpu.memory_space<hbm>> -> memref<10000x128xf32, #tpu.memory_space<hbm>>
      tpu.wait_indirect_dma semaphore(%arg13 : memref<!tpu.dma_semaphore, #tpu.memory_space<semaphore_mem>>) src(%dma_wait3A_23 : memref<10000x128xf32, #tpu.memory_space<hbm>>) dst(%arg11 : memref<128x128xf32, #tpu.memory_space<vmem>>)
      "tpu.region"() ({
        %run_scoped3A = tpu.sem_alloc : memref<!tpu.dma_semaphore, #tpu.memory_space<semaphore_mem>>
        %dma_start3A_24 = arith.constant 0 : i32
        %dma_start3A_25 = tpu.memref_slice %arg6[%add3A_13, %dma_start3A_24] : memref<81920x128xf32, #tpu.memory_space<hbm>> -> memref<128x128xf32, #tpu.memory_space<hbm>>
        %dma_start3A_26 = arith.constant 0 : i32
        %dma_start3A_27 = tpu.memref_slice %arg6[%add3A_13, %dma_start3A_26] : memref<81920x128xf32, #tpu.memory_space<hbm>> -> memref<128x128xf32, #tpu.memory_space<hbm>>
        tpu.enqueue_dma source(%arg10 : memref<128x128xf32, #tpu.memory_space<vmem>>) target(%dma_start3A_27 : memref<128x128xf32, #tpu.memory_space<hbm>>) target_semaphore(%run_scoped3A : memref<!tpu.dma_semaphore, #tpu.memory_space<semaphore_mem>>)
        %dma_wait3A_28 = arith.constant 0 : i32
        %dma_wait3A_29 = tpu.memref_slice %arg6[%add3A_13, %dma_wait3A_28] : memref<81920x128xf32, #tpu.memory_space<hbm>> -> memref<128x128xf32, #tpu.memory_space<hbm>>
        %dma_wait3A_30 = arith.constant 0 : i32
        %dma_wait3A_31 = tpu.memref_slice %arg6[%add3A_13, %dma_wait3A_30] : memref<81920x128xf32, #tpu.memory_space<hbm>> -> memref<128x128xf32, #tpu.memory_space<hbm>>
        tpu.wait_dma2 semaphore(%run_scoped3A : memref<!tpu.dma_semaphore, #tpu.memory_space<semaphore_mem>>) src(%arg10 : memref<128x128xf32, #tpu.memory_space<vmem>>) dst(%dma_wait3A_31 : memref<128x128xf32, #tpu.memory_space<hbm>>)
        tpu.yield
      }) : () -> ()
      "tpu.region"() ({
        %run_scoped3A = tpu.sem_alloc : memref<!tpu.dma_semaphore, #tpu.memory_space<semaphore_mem>>
        %dma_start3A_24 = arith.constant 0 : i32
        %dma_start3A_25 = tpu.memref_slice %arg7[%add3A_13, %dma_start3A_24] : memref<81920x128xf32, #tpu.memory_space<hbm>> -> memref<128x128xf32, #tpu.memory_space<hbm>>
        %dma_start3A_26 = arith.constant 0 : i32
        %dma_start3A_27 = tpu.memref_slice %arg7[%add3A_13, %dma_start3A_26] : memref<81920x128xf32, #tpu.memory_space<hbm>> -> memref<128x128xf32, #tpu.memory_space<hbm>>
        tpu.enqueue_dma source(%arg11 : memref<128x128xf32, #tpu.memory_space<vmem>>) target(%dma_start3A_27 : memref<128x128xf32, #tpu.memory_space<hbm>>) target_semaphore(%run_scoped3A : memref<!tpu.dma_semaphore, #tpu.memory_space<semaphore_mem>>)
        %dma_wait3A_28 = arith.constant 0 : i32
        %dma_wait3A_29 = tpu.memref_slice %arg7[%add3A_13, %dma_wait3A_28] : memref<81920x128xf32, #tpu.memory_space<hbm>> -> memref<128x128xf32, #tpu.memory_space<hbm>>
        %dma_wait3A_30 = arith.constant 0 : i32
        %dma_wait3A_31 = tpu.memref_slice %arg7[%add3A_13, %dma_wait3A_30] : memref<81920x128xf32, #tpu.memory_space<hbm>> -> memref<128x128xf32, #tpu.memory_space<hbm>>
        tpu.wait_dma2 semaphore(%run_scoped3A : memref<!tpu.dma_semaphore, #tpu.memory_space<semaphore_mem>>) src(%arg11 : memref<128x128xf32, #tpu.memory_space<vmem>>) dst(%dma_wait3A_31 : memref<128x128xf32, #tpu.memory_space<hbm>>)
        tpu.yield
      }) : () -> ()
    }
    %scan3A_9 = arith.constant 20 : i32
    return
  }
}

#map = affine_map<(d0, d1) -> (0, 0)>
#map1 = affine_map<(d0, d1) -> (0)>
module attributes {stable_mosaic.version = 14 : i64} {
  func.func @k(%arg0: i32, %arg1: i32, %arg2: memref<10000x128xf32, #tpu.memory_space<hbm>>, %arg3: memref<10000x128xf32, #tpu.memory_space<hbm>>, %arg4: memref<81920xi32, #tpu.memory_space<hbm>>, %arg5: memref<81920xi32, #tpu.memory_space<hbm>>, %arg6: memref<81920x128xf32, #tpu.memory_space<hbm>>, %arg7: memref<81920x128xf32, #tpu.memory_space<hbm>>, %arg8: memref<128xi32, #tpu.memory_space<vmem>>, %arg9: memref<128xi32, #tpu.memory_space<vmem>>, %arg10: memref<128x128xf32, #tpu.memory_space<vmem>>, %arg11: memref<128x128xf32, #tpu.memory_space<vmem>>, %arg12: memref<!tpu.dma_semaphore, #tpu.memory_space<semaphore_mem>>, %arg13: memref<!tpu.dma_semaphore, #tpu.memory_space<semaphore_mem>>) attributes {dimension_semantics = [#tpu.dimension_semantics<core_parallel>, #tpu.dimension_semantics<subcore_parallel>], iteration_bounds = array<i64: 2, 16>, scalar_prefetch = 0 : i64, scratch_operands = 6 : i64, tpu.core_type = #tpu.core_type<sc_vector_subcore>, window_params = [{transform_indices = #map}, {transform_indices = #map}, {transform_indices = #map1}, {transform_indices = #map1}, {transform_indices = #map}, {transform_indices = #map}]} {
    %mul3A = arith.constant 2 : i32
    %mul3A_0 = arith.muli %arg1, %mul3A : i32
    %add3A = arith.addi %mul3A_0, %arg0 : i32
    %mul3A_1 = arith.constant 20 : i32
    %mul3A_2 = arith.muli %add3A, %mul3A_1 : i32
    %mul3A_3 = arith.constant 128 : i32
    %mul3A_4 = arith.muli %mul3A_2, %mul3A_3 : i32
    %scan3A = arith.constant 0 : i32
    %scan3A_5 = arith.constant 0 : i32
    %scan3A_6 = arith.constant 20 : i32
    %scan3A_7 = arith.addi %scan3A_5, %scan3A_6 : i32
    %scan3A_8 = arith.constant 1 : i32
    scf.for %scan3A_10 = %scan3A_5 to %scan3A_7 step %scan3A_8  : i32 {
      %mul3A_11 = arith.constant 128 : i32
      %mul3A_12 = arith.muli %scan3A_10, %mul3A_11 : i32
      %add3A_13 = arith.addi %mul3A_4, %mul3A_12 : i32
      "tpu.region"() ({
        %run_scoped3A = tpu.sem_alloc : memref<!tpu.dma_semaphore, #tpu.memory_space<semaphore_mem>>
        %dma_start3A_24 = tpu.memref_slice %arg4[%add3A_13] : memref<81920xi32, #tpu.memory_space<hbm>> -> memref<128xi32, #tpu.memory_space<hbm>>
        %dma_start3A_25 = tpu.memref_slice %arg4[%add3A_13] : memref<81920xi32, #tpu.memory_space<hbm>> -> memref<128xi32, #tpu.memory_space<hbm>>
        tpu.enqueue_dma source(%dma_start3A_25 : memref<128xi32, #tpu.memory_space<hbm>>) target(%arg8 : memref<128xi32, #tpu.memory_space<vmem>>) target_semaphore(%run_scoped3A : memref<!tpu.dma_semaphore, #tpu.memory_space<semaphore_mem>>)
        %dma_wait3A_26 = tpu.memref_slice %arg4[%add3A_13] : memref<81920xi32, #tpu.memory_space<hbm>> -> memref<128xi32, #tpu.memory_space<hbm>>
        %dma_wait3A_27 = tpu.memref_slice %arg4[%add3A_13] : memref<81920xi32, #tpu.memory_space<hbm>> -> memref<128xi32, #tpu.memory_space<hbm>>
        tpu.wait_dma2 semaphore(%run_scoped3A : memref<!tpu.dma_semaphore, #tpu.memory_space<semaphore_mem>>) src(%dma_wait3A_27 : memref<128xi32, #tpu.memory_space<hbm>>) dst(%arg8 : memref<128xi32, #tpu.memory_space<vmem>>)
        tpu.yield
      }) : () -> ()
      "tpu.region"() ({
        %run_scoped3A = tpu.sem_alloc : memref<!tpu.dma_semaphore, #tpu.memory_space<semaphore_mem>>
        %dma_start3A_24 = tpu.memref_slice %arg5[%add3A_13] : memref<81920xi32, #tpu.memory_space<hbm>> -> memref<128xi32, #tpu.memory_space<hbm>>
        %dma_start3A_25 = tpu.memref_slice %arg5[%add3A_13] : memref<81920xi32, #tpu.memory_space<hbm>> -> memref<128xi32, #tpu.memory_space<hbm>>
        tpu.enqueue_dma source(%dma_start3A_25 : memref<128xi32, #tpu.memory_space<hbm>>) target(%arg9 : memref<128xi32, #tpu.memory_space<vmem>>) target_semaphore(%run_scoped3A : memref<!tpu.dma_semaphore, #tpu.memory_space<semaphore_mem>>)
        %dma_wait3A_26 = tpu.memref_slice %arg5[%add3A_13] : memref<81920xi32, #tpu.memory_space<hbm>> -> memref<128xi32, #tpu.memory_space<hbm>>
        %dma_wait3A_27 = tpu.memref_slice %arg5[%add3A_13] : memref<81920xi32, #tpu.memory_space<hbm>> -> memref<128xi32, #tpu.memory_space<hbm>>
        tpu.wait_dma2 semaphore(%run_scoped3A : memref<!tpu.dma_semaphore, #tpu.memory_space<semaphore_mem>>) src(%dma_wait3A_27 : memref<128xi32, #tpu.memory_space<hbm>>) dst(%arg9 : memref<128xi32, #tpu.memory_space<vmem>>)
        tpu.yield
      }) : () -> ()
      %dma_start3A = arith.constant 0 : i32
      %dma_start3A_14 = arith.constant 0 : i32
      %dma_start3A_15 = tpu.memref_slice %arg2[%dma_start3A, %dma_start3A_14] : memref<10000x128xf32, #tpu.memory_space<hbm>> -> memref<10000x128xf32, #tpu.memory_space<hbm>>
      tpu.enqueue_indirect_dma source(%dma_start3A_15 : memref<10000x128xf32, #tpu.memory_space<hbm>>) target(%arg10 : memref<128x128xf32, #tpu.memory_space<vmem>>) offsets(%arg8 : memref<128xi32, #tpu.memory_space<vmem>>) semaphore(%arg12 : memref<!tpu.dma_semaphore, #tpu.memory_space<semaphore_mem>>)
      %dma_start3A_16 = arith.constant 0 : i32
      %dma_start3A_17 = arith.constant 0 : i32
      %dma_start3A_18 = tpu.memref_slice %arg3[%dma_start3A_16, %dma_start3A_17] : memref<10000x128xf32, #tpu.memory_space<hbm>> -> memref<10000x128xf32, #tpu.memory_space<hbm>>
      tpu.enqueue_indirect_dma source(%dma_start3A_18 : memref<10000x128xf32, #tpu.memory_space<hbm>>) target(%arg11 : memref<128x128xf32, #tpu.memory_space<vmem>>) offsets(%arg9 : memref<128xi32, #tpu.memory_space<vmem>>) semaphore(%arg13 : memref<!tpu.dma_semaphore, #tpu.memory_space<semaphore_mem>>)
      %dma_wait3A = arith.constant 0 : i32
      %dma_wait3A_19 = arith.constant 0 : i32
      %dma_wait3A_20 = tpu.memref_slice %arg2[%dma_wait3A, %dma_wait3A_19] : memref<10000x128xf32, #tpu.memory_space<hbm>> -> memref<10000x128xf32, #tpu.memory_space<hbm>>
      tpu.wait_indirect_dma semaphore(%arg12 : memref<!tpu.dma_semaphore, #tpu.memory_space<semaphore_mem>>) src(%dma_wait3A_20 : memref<10000x128xf32, #tpu.memory_space<hbm>>) dst(%arg10 : memref<128x128xf32, #tpu.memory_space<vmem>>)
      %dma_wait3A_21 = arith.constant 0 : i32
      %dma_wait3A_22 = arith.constant 0 : i32
      %dma_wait3A_23 = tpu.memref_slice %arg3[%dma_wait3A_21, %dma_wait3A_22] : memref<10000x128xf32, #tpu.memory_space<hbm>> -> memref<10000x128xf32, #tpu.memory_space<hbm>>
      tpu.wait_indirect_dma semaphore(%arg13 : memref<!tpu.dma_semaphore, #tpu.memory_space<semaphore_mem>>) src(%dma_wait3A_23 : memref<10000x128xf32, #tpu.memory_space<hbm>>) dst(%arg11 : memref<128x128xf32, #tpu.memory_space<vmem>>)
      "tpu.region"() ({
        %run_scoped3A = tpu.sem_alloc : memref<!tpu.dma_semaphore, #tpu.memory_space<semaphore_mem>>
        %dma_start3A_24 = arith.constant 0 : i32
        %dma_start3A_25 = tpu.memref_slice %arg6[%add3A_13, %dma_start3A_24] : memref<81920x128xf32, #tpu.memory_space<hbm>> -> memref<128x128xf32, #tpu.memory_space<hbm>>
        %dma_start3A_26 = arith.constant 0 : i32
        %dma_start3A_27 = tpu.memref_slice %arg6[%add3A_13, %dma_start3A_26] : memref<81920x128xf32, #tpu.memory_space<hbm>> -> memref<128x128xf32, #tpu.memory_space<hbm>>
        tpu.enqueue_dma source(%arg10 : memref<128x128xf32, #tpu.memory_space<vmem>>) target(%dma_start3A_27 : memref<128x128xf32, #tpu.memory_space<hbm>>) target_semaphore(%run_scoped3A : memref<!tpu.dma_semaphore, #tpu.memory_space<semaphore_mem>>)
        %dma_wait3A_28 = arith.constant 0 : i32
        %dma_wait3A_29 = tpu.memref_slice %arg6[%add3A_13, %dma_wait3A_28] : memref<81920x128xf32, #tpu.memory_space<hbm>> -> memref<128x128xf32, #tpu.memory_space<hbm>>
        %dma_wait3A_30 = arith.constant 0 : i32
        %dma_wait3A_31 = tpu.memref_slice %arg6[%add3A_13, %dma_wait3A_30] : memref<81920x128xf32, #tpu.memory_space<hbm>> -> memref<128x128xf32, #tpu.memory_space<hbm>>
        tpu.wait_dma2 semaphore(%run_scoped3A : memref<!tpu.dma_semaphore, #tpu.memory_space<semaphore_mem>>) src(%arg10 : memref<128x128xf32, #tpu.memory_space<vmem>>) dst(%dma_wait3A_31 : memref<128x128xf32, #tpu.memory_space<hbm>>)
        tpu.yield
      }) : () -> ()
      "tpu.region"() ({
        %run_scoped3A = tpu.sem_alloc : memref<!tpu.dma_semaphore, #tpu.memory_space<semaphore_mem>>
        %dma_start3A_24 = arith.constant 0 : i32
        %dma_start3A_25 = tpu.memref_slice %arg7[%add3A_13, %dma_start3A_24] : memref<81920x128xf32, #tpu.memory_space<hbm>> -> memref<128x128xf32, #tpu.memory_space<hbm>>
        %dma_start3A_26 = arith.constant 0 : i32
        %dma_start3A_27 = tpu.memref_slice %arg7[%add3A_13, %dma_start3A_26] : memref<81920x128xf32, #tpu.memory_space<hbm>> -> memref<128x128xf32, #tpu.memory_space<hbm>>
        tpu.enqueue_dma source(%arg11 : memref<128x128xf32, #tpu.memory_space<vmem>>) target(%dma_start3A_27 : memref<128x128xf32, #tpu.memory_space<hbm>>) target_semaphore(%run_scoped3A : memref<!tpu.dma_semaphore, #tpu.memory_space<semaphore_mem>>)
        %dma_wait3A_28 = arith.constant 0 : i32
        %dma_wait3A_29 = tpu.memref_slice %arg7[%add3A_13, %dma_wait3A_28] : memref<81920x128xf32, #tpu.memory_space<hbm>> -> memref<128x128xf32, #tpu.memory_space<hbm>>
        %dma_wait3A_30 = arith.constant 0 : i32
        %dma_wait3A_31 = tpu.memref_slice %arg7[%add3A_13, %dma_wait3A_30] : memref<81920x128xf32, #tpu.memory_space<hbm>> -> memref<128x128xf32, #tpu.memory_space<hbm>>
        tpu.wait_dma2 semaphore(%run_scoped3A : memref<!tpu.dma_semaphore, #tpu.memory_space<semaphore_mem>>) src(%arg11 : memref<128x128xf32, #tpu.memory_space<vmem>>) dst(%dma_wait3A_31 : memref<128x128xf32, #tpu.memory_space<hbm>>)
        tpu.yield
      }) : () -> ()
    }
    %scan3A_9 = arith.constant 20 : i32
    return
  }
}

module attributes {stable_mosaic.version = 14 : i64} {
  func.func @_tables_body(%arg0: i32, %arg1: memref<1000x128xf32, #tpu.memory_space<vmem>>, %arg2: memref<1000x128xf32, #tpu.memory_space<vmem>>, %arg3: memref<128x128xf32, #tpu.memory_space<vmem>>, %arg4: memref<128x128xf32, #tpu.memory_space<vmem>>, %arg5: memref<1x128xf32, #tpu.memory_space<vmem>>, %arg6: memref<1000x128xf32, #tpu.memory_space<vmem>>, %arg7: memref<1000x128xf32, #tpu.memory_space<vmem>>) attributes {dimension_semantics = [#tpu.dimension_semantics<arbitrary>], iteration_bounds = array<i64: 10>, scalar_prefetch = 0 : i64, scratch_operands = 0 : i64, tpu.core_type = #tpu.core_type<tc>, window_params = [{transform_indices = @transform_0, window_bounds = array<i64: 1000, 128>}, {transform_indices = @transform_1, window_bounds = array<i64: 1000, 128>}, {pipeline_mode = #tpu.pipeline_mode<synchronous>, transform_indices = @transform_2, window_bounds = array<i64: 128, 128>}, {pipeline_mode = #tpu.pipeline_mode<synchronous>, transform_indices = @transform_3, window_bounds = array<i64: 128, 128>}, {pipeline_mode = #tpu.pipeline_mode<synchronous>, transform_indices = @transform_4, window_bounds = array<i64: 1, 128>}, {transform_indices = @transform_5, window_bounds = array<i64: 1000, 128>}, {transform_indices = @transform_6, window_bounds = array<i64: 1000, 128>}]} {
    %get3A = arith.constant 0 : index
    %get3A_0 = arith.constant 0 : index
    %get3A_1 = vector.load %arg1[%get3A, %get3A_0] : memref<1000x128xf32, #tpu.memory_space<vmem>>, vector<1000x128xf32>
    %get3A_2 = arith.constant 0 : index
    %get3A_3 = arith.constant 0 : index
    %get3A_4 = vector.load %arg3[%get3A_2, %get3A_3] : memref<128x128xf32, #tpu.memory_space<vmem>>, vector<128x128xf32>
    %dot_general3A = arith.constant dense<0.000000e+00> : vector<1000x128xf32>
    %dot_general3A_5 = tpu.matmul %get3A_1, %get3A_4, %dot_general3A {dimension_numbers = #tpu.dot_dimension_numbers<[1], [0], [0], [1], [0, 0, 1, 1], [], []>, transpose_lhs_hint = false} : vector<1000x128xf32>, vector<128x128xf32>, vector<1000x128xf32> -> vector<1000x128xf32>
    %swap3A = arith.constant 0 : index
    %swap3A_6 = arith.constant 0 : index
    %swap3A_7 = vector.load %arg6[%swap3A, %swap3A_6] : memref<1000x128xf32, #tpu.memory_space<vmem>>, vector<1000x128xf32>
    tpu.vector_store %arg6[%swap3A, %swap3A_6], %dot_general3A_5 {strides = array<i32>} : memref<1000x128xf32, #tpu.memory_space<vmem>>, vector<1000x128xf32>,
    %get3A_8 = arith.constant 0 : index
    %get3A_9 = arith.constant 0 : index
    %get3A_10 = vector.load %arg2[%get3A_8, %get3A_9] : memref<1000x128xf32, #tpu.memory_space<vmem>>, vector<1000x128xf32>
    %get3A_11 = arith.constant 0 : index
    %get3A_12 = arith.constant 0 : index
    %get3A_13 = vector.load %arg4[%get3A_11, %get3A_12] : memref<128x128xf32, #tpu.memory_space<vmem>>, vector<128x128xf32>
    %dot_general3A_14 = arith.constant dense<0.000000e+00> : vector<1000x128xf32>
    %dot_general3A_15 = tpu.matmul %get3A_10, %get3A_13, %dot_general3A_14 {dimension_numbers = #tpu.dot_dimension_numbers<[1], [0], [0], [1], [0, 0, 1, 1], [], []>, transpose_lhs_hint = false} : vector<1000x128xf32>, vector<128x128xf32>, vector<1000x128xf32> -> vector<1000x128xf32>
    %get3A_16 = arith.constant 0 : index
    %get3A_17 = arith.constant 0 : index
    %get3A_18 = vector.load %arg5[%get3A_16, %get3A_17] : memref<1x128xf32, #tpu.memory_space<vmem>>, vector<1x128xf32>
    %add3A = vector.broadcast %get3A_18 : vector<1x128xf32> to vector<1000x128xf32>
    %add3A_19 = arith.addf %dot_general3A_15, %add3A : vector<1000x128xf32>
    %swap3A_20 = arith.constant 0 : index
    %swap3A_21 = arith.constant 0 : index
    %swap3A_22 = vector.load %arg7[%swap3A_20, %swap3A_21] : memref<1000x128xf32, #tpu.memory_space<vmem>>, vector<1000x128xf32>
    tpu.vector_store %arg7[%swap3A_20, %swap3A_21], %add3A_19 {strides = array<i32>} : memref<1000x128xf32, #tpu.memory_space<vmem>>, vector<1000x128xf32>,
    return
  }
  func.func @transform_0(%arg0: i32) -> (i32, i32) {
    %c0_i32 = arith.constant 0 : i32
    %c0_i32_0 = arith.constant 0 : i32
    return %arg0, %c0_i32 : i32, i32
  }
  func.func @transform_1(%arg0: i32) -> (i32, i32) {
    %c0_i32 = arith.constant 0 : i32
    %c0_i32_0 = arith.constant 0 : i32
    return %arg0, %c0_i32 : i32, i32
  }
  func.func @transform_2(%arg0: i32) -> (i32, i32) {
    %c0_i32 = arith.constant 0 : i32
    %c0_i32_0 = arith.constant 0 : i32
    %c0_i32_1 = arith.constant 0 : i32
    return %c0_i32, %c0_i32_0 : i32, i32
  }
  func.func @transform_3(%arg0: i32) -> (i32, i32) {
    %c0_i32 = arith.constant 0 : i32
    %c0_i32_0 = arith.constant 0 : i32
    %c0_i32_1 = arith.constant 0 : i32
    return %c0_i32, %c0_i32_0 : i32, i32
  }
  func.func @transform_4(%arg0: i32) -> (i32, i32) {
    %c0_i32 = arith.constant 0 : i32
    %c0_i32_0 = arith.constant 0 : i32
    %c0_i32_1 = arith.constant 0 : i32
    return %c0_i32, %c0_i32_0 : i32, i32
  }
  func.func @transform_5(%arg0: i32) -> (i32, i32) {
    %c0_i32 = arith.constant 0 : i32
    %c0_i32_0 = arith.constant 0 : i32
    return %arg0, %c0_i32 : i32, i32
  }
  func.func @transform_6(%arg0: i32) -> (i32, i32) {
    %c0_i32 = arith.constant 0 : i32
    %c0_i32_0 = arith.constant 0 : i32
    return %arg0, %c0_i32 : i32, i32
  }
}

module attributes {stable_mosaic.version = 14 : i64} {
  func.func @_edge_body(%arg0: i32, %arg1: memref<512x128xf32, #tpu.memory_space<vmem>>, %arg2: memref<512x128xf32, #tpu.memory_space<vmem>>, %arg3: memref<128x128xf32, #tpu.memory_space<vmem>>, %arg4: memref<1x128xf32, #tpu.memory_space<vmem>>, %arg5: memref<1x1xf32, #tpu.memory_space<smem>>, %arg6: memref<512x128xf32, #tpu.memory_space<vmem>>, %arg7: memref<512x16xf32, #tpu.memory_space<vmem>>) attributes {dimension_semantics = [#tpu.dimension_semantics<arbitrary>], iteration_bounds = array<i64: 320>, scalar_prefetch = 0 : i64, scratch_operands = 0 : i64, tpu.core_type = #tpu.core_type<tc>, window_params = [{transform_indices = @transform_0, window_bounds = array<i64: 512, 128>}, {transform_indices = @transform_1, window_bounds = array<i64: 512, 128>}, {pipeline_mode = #tpu.pipeline_mode<synchronous>, transform_indices = @transform_2, window_bounds = array<i64: 128, 128>}, {pipeline_mode = #tpu.pipeline_mode<synchronous>, transform_indices = @transform_3, window_bounds = array<i64: 1, 128>}, {transform_indices = @transform_4, window_bounds = array<i64: 1, 1>}, {transform_indices = @transform_5, window_bounds = array<i64: 512, 128>}, {transform_indices = @transform_6, window_bounds = array<i64: 512, 16>}]} {
    %get3A = arith.constant 0 : index
    %get3A_0 = arith.constant 0 : index
    %get3A_1 = vector.load %arg1[%get3A, %get3A_0] : memref<512x128xf32, #tpu.memory_space<vmem>>, vector<512x128xf32>
    %get3A_2 = arith.constant 0 : index
    %get3A_3 = arith.constant 0 : index
    %get3A_4 = vector.load %arg2[%get3A_2, %get3A_3] : memref<512x128xf32, #tpu.memory_space<vmem>>, vector<512x128xf32>
    %add3A = arith.addf %get3A_1, %get3A_4 : vector<512x128xf32>
    %max3A = arith.constant 0.000000e+00 : f32
    %max3A_5 = vector.broadcast %max3A : f32 to vector<512x128xf32>
    %max3A_6 = arith.maximumf %add3A, %max3A_5 : vector<512x128xf32>
    %get3A_7 = arith.constant 0 : index
    %get3A_8 = arith.constant 0 : index
    %get3A_9 = vector.load %arg3[%get3A_7, %get3A_8] : memref<128x128xf32, #tpu.memory_space<vmem>>, vector<128x128xf32>
    %dot_general3A = arith.constant dense<0.000000e+00> : vector<512x128xf32>
    %dot_general3A_10 = tpu.matmul %max3A_6, %get3A_9, %dot_general3A {dimension_numbers = #tpu.dot_dimension_numbers<[1], [0], [0], [1], [0, 0, 1, 1], [], []>, transpose_lhs_hint = false} : vector<512x128xf32>, vector<128x128xf32>, vector<512x128xf32> -> vector<512x128xf32>
    %get3A_11 = arith.constant 0 : index
    %get3A_12 = arith.constant 0 : index
    %get3A_13 = vector.load %arg4[%get3A_11, %get3A_12] : memref<1x128xf32, #tpu.memory_space<vmem>>, vector<1x128xf32>
    %add3A_14 = vector.broadcast %get3A_13 : vector<1x128xf32> to vector<512x128xf32>
    %add3A_15 = arith.addf %dot_general3A_10, %add3A_14 : vector<512x128xf32>
    %mul3A = arith.mulf %add3A_15, %add3A_15 : vector<512x128xf32>
    %reduce_sum3A = arith.constant dense<0.000000e+00> : vector<512xf32>
    %reduce_sum3A_16 = vector.multi_reduction <add>, %mul3A, %reduce_sum3A [1] : vector<512x128xf32> to vector<512xf32>
    %broadcast_in_dim3A = vector.shape_cast %reduce_sum3A_16 : vector<512xf32> to vector<512x1xf32>
    %sqrt3A = math.sqrt %broadcast_in_dim3A : vector<512x1xf32>
    %mul3A_17 = arith.constant 512 : i32
    %mul3A_18 = arith.muli %arg0, %mul3A_17 : i32
    %iota3A = tpu.iota {dimensions = array<i32: 0>} : vector<512x1xi32>
    %add3A_19 = vector.broadcast %mul3A_18 : i32 to vector<512x1xi32>
    %add3A_20 = arith.addi %add3A_19, %iota3A : vector<512x1xi32>
    %lt3A = arith.constant 160000 : i32
    %lt3A_21 = vector.broadcast %lt3A : i32 to vector<512x1xi32>
    %lt3A_22 = arith.cmpi slt, %add3A_20, %lt3A_21 : vector<512x1xi32>
    %neg3A = arith.constant 0.000000e+00 : f32
    %neg3A_23 = vector.broadcast %neg3A : f32 to vector<512x1xf32>
    %neg3A_24 = arith.subf %neg3A_23, %sqrt3A : vector<512x1xf32>
    %get3A_25 = arith.constant 0 : index
    %get3A_26 = arith.constant 0 : index
    %get3A_27 = memref.load %arg5[%get3A_25, %get3A_26] : memref<1x1xf32, #tpu.memory_space<smem>>
    %mul3A_28 = vector.broadcast %get3A_27 : f32 to vector<512x1xf32>
    %mul3A_29 = arith.mulf %neg3A_24, %mul3A_28 : vector<512x1xf32>
    %exp3A = math.exp %mul3A_29 : vector<512x1xf32>
    %jit3A = arith.constant 0.000000e+00 : f32
    %broadcast_in_dim3A_30 = vector.broadcast %jit3A : f32 to vector<512x1xf32>
    %select_n3A = arith.select %lt3A_22, %exp3A, %broadcast_in_dim3A_30 : vector<512x1xi1>, vector<512x1xf32>
    %mul3A_31 = vector.broadcast %select_n3A : vector<512x1xf32> to vector<512x128xf32>
    %mul3A_32 = arith.mulf %add3A_15, %mul3A_31 : vector<512x128xf32>
    %swap3A = arith.constant 0 : index
    %swap3A_33 = arith.constant 0 : index
    %swap3A_34 = vector.load %arg6[%swap3A, %swap3A_33] : memref<512x128xf32, #tpu.memory_space<vmem>>, vector<512x128xf32>
    tpu.vector_store %arg6[%swap3A, %swap3A_33], %mul3A_32 {strides = array<i32>} : memref<512x128xf32, #tpu.memory_space<vmem>>, vector<512x128xf32>,
    %iota3A_35 = tpu.iota {dimensions = array<i32: 1>} : vector<512x16xi32>
    %eq3A = arith.constant 0 : i32
    %eq3A_36 = vector.broadcast %eq3A : i32 to vector<512x16xi32>
    %eq3A_37 = arith.cmpi eq, %iota3A_35, %eq3A_36 : vector<512x16xi32>
    %jit3A_38 = arith.constant 0.000000e+00 : f32
    %broadcast_in_dim3A_39 = vector.shape_cast %select_n3A : vector<512x1xf32> to vector<512x1xf32>
    %broadcast_in_dim3A_40 = vector.broadcast %broadcast_in_dim3A_39 : vector<512x1xf32> to vector<512x16xf32>
    %broadcast_in_dim3A_41 = vector.broadcast %jit3A_38 : f32 to vector<512x16xf32>
    %select_n3A_42 = arith.select %eq3A_37, %broadcast_in_dim3A_40, %broadcast_in_dim3A_41 : vector<512x16xi1>, vector<512x16xf32>
    %swap3A_43 = arith.constant 0 : index
    %swap3A_44 = arith.constant 0 : index
    %swap3A_45 = vector.load %arg7[%swap3A_43, %swap3A_44] : memref<512x16xf32, #tpu.memory_space<vmem>>, vector<512x16xf32>
    tpu.vector_store %arg7[%swap3A_43, %swap3A_44], %select_n3A_42 {strides = array<i32>} : memref<512x16xf32, #tpu.memory_space<vmem>>, vector<512x16xf32>,
    return
  }
  func.func @transform_0(%arg0: i32) -> (i32, i32) {
    %c0_i32 = arith.constant 0 : i32
    %c0_i32_0 = arith.constant 0 : i32
    return %arg0, %c0_i32 : i32, i32
  }
  func.func @transform_1(%arg0: i32) -> (i32, i32) {
    %c0_i32 = arith.constant 0 : i32
    %c0_i32_0 = arith.constant 0 : i32
    return %arg0, %c0_i32 : i32, i32
  }
  func.func @transform_2(%arg0: i32) -> (i32, i32) {
    %c0_i32 = arith.constant 0 : i32
    %c0_i32_0 = arith.constant 0 : i32
    %c0_i32_1 = arith.constant 0 : i32
    return %c0_i32, %c0_i32_0 : i32, i32
  }
  func.func @transform_3(%arg0: i32) -> (i32, i32) {
    %c0_i32 = arith.constant 0 : i32
    %c0_i32_0 = arith.constant 0 : i32
    %c0_i32_1 = arith.constant 0 : i32
    return %c0_i32, %c0_i32_0 : i32, i32
  }
  func.func @transform_4(%arg0: i32) -> (i32, i32) {
    %c0_i32 = arith.constant 0 : i32
    %c0_i32_0 = arith.constant 0 : i32
    %c0_i32_1 = arith.constant 0 : i32
    return %c0_i32, %c0_i32_0 : i32, i32
  }
  func.func @transform_5(%arg0: i32) -> (i32, i32) {
    %c0_i32 = arith.constant 0 : i32
    %c0_i32_0 = arith.constant 0 : i32
    return %arg0, %c0_i32 : i32, i32
  }
  func.func @transform_6(%arg0: i32) -> (i32, i32) {
    %c0_i32 = arith.constant 0 : i32
    %c0_i32_0 = arith.constant 0 : i32
    return %arg0, %c0_i32 : i32, i32
  }
}

module attributes {stable_mosaic.version = 14 : i64} {
  func.func @_reduce_body(%arg0: i32, %arg1: i32, %arg2: memref<1x512xi32, #tpu.memory_space<vmem>>, %arg3: memref<512x128xbf16, #tpu.memory_space<vmem>>, %arg4: memref<512x16xbf16, #tpu.memory_space<vmem>>, %arg5: memref<1024x128xf32, #tpu.memory_space<vmem>>, %arg6: memref<1024x16xf32, #tpu.memory_space<vmem>>) attributes {dimension_semantics = [#tpu.dimension_semantics<arbitrary>, #tpu.dimension_semantics<arbitrary>], iteration_bounds = array<i64: 10, 320>, scalar_prefetch = 0 : i64, scratch_operands = 0 : i64, tpu.core_type = #tpu.core_type<tc>, window_params = [{transform_indices = @transform_0, window_bounds = array<i64: 1, 512>}, {transform_indices = @transform_1, window_bounds = array<i64: 512, 128>}, {transform_indices = @transform_2, window_bounds = array<i64: 512, 16>}, {transform_indices = @transform_3, window_bounds = array<i64: 1024, 128>}, {transform_indices = @transform_4, window_bounds = array<i64: 1024, 16>}]} {
    %eq3A = arith.constant 0 : i32
    %eq3A_0 = arith.cmpi eq, %arg1, %eq3A : i32
    %convert_element_type3A = arith.extui %eq3A_0 : i1 to i32
    %cond3A = arith.constant 0 : i32
    %cond3A_1 = arith.cmpi ne, %convert_element_type3A, %cond3A : i32
    scf.if %cond3A_1 {
      %broadcast_in_dim3A = arith.constant 0.000000e+00 : f32
      %broadcast_in_dim3A_33 = vector.broadcast %broadcast_in_dim3A : f32 to vector<1024x128xf32>
      %swap3A_34 = arith.constant 0 : index
      %swap3A_35 = arith.constant 0 : index
      %swap3A_36 = vector.load %arg5[%swap3A_34, %swap3A_35] : memref<1024x128xf32, #tpu.memory_space<vmem>>, vector<1024x128xf32>
      tpu.vector_store %arg5[%swap3A_34, %swap3A_35], %broadcast_in_dim3A_33 {strides = array<i32>} : memref<1024x128xf32, #tpu.memory_space<vmem>>, vector<1024x128xf32>,
      %broadcast_in_dim3A_37 = arith.constant 0.000000e+00 : f32
      %broadcast_in_dim3A_38 = vector.broadcast %broadcast_in_dim3A_37 : f32 to vector<1024x16xf32>
      %swap3A_39 = arith.constant 0 : index
      %swap3A_40 = arith.constant 0 : index
      %swap3A_41 = vector.load %arg6[%swap3A_39, %swap3A_40] : memref<1024x16xf32, #tpu.memory_space<vmem>>, vector<1024x16xf32>
      tpu.vector_store %arg6[%swap3A_39, %swap3A_40], %broadcast_in_dim3A_38 {strides = array<i32>} : memref<1024x16xf32, #tpu.memory_space<vmem>>, vector<1024x16xf32>,
    } else {
    }
    %mul3A = arith.constant 1024 : i32
    %mul3A_2 = arith.muli %arg0, %mul3A : i32
    %iota3A = tpu.iota {dimensions = array<i32: 0>} : vector<1024x512xi32>
    %add3A = vector.broadcast %mul3A_2 : i32 to vector<1024x512xi32>
    %add3A_3 = arith.addi %add3A, %iota3A : vector<1024x512xi32>
    %get3A = arith.constant 0 : index
    %get3A_4 = arith.constant 0 : index
    %get3A_5 = vector.load %arg2[%get3A, %get3A_4] : memref<1x512xi32, #tpu.memory_space<vmem>>, vector<1x512xi32>
    %eq3A_6 = vector.broadcast %get3A_5 : vector<1x512xi32> to vector<1024x512xi32>
    %eq3A_7 = arith.cmpi eq, %add3A_3, %eq3A_6 : vector<1024x512xi32>
    %convert_element_type3A_8 = arith.extui %eq3A_7 : vector<1024x512xi1> to vector<1024x512xi32>
    %convert_element_type3A_9 = arith.sitofp %convert_element_type3A_8 : vector<1024x512xi32> to vector<1024x512xf32>
    %convert_element_type3A_10 = arith.truncf %convert_element_type3A_9 : vector<1024x512xf32> to vector<1024x512xbf16>
    %get3A_11 = arith.constant 0 : index
    %get3A_12 = arith.constant 0 : index
    %get3A_13 = vector.load %arg5[%get3A_11, %get3A_12] : memref<1024x128xf32, #tpu.memory_space<vmem>>, vector<1024x128xf32>
    %get3A_14 = arith.constant 0 : index
    %get3A_15 = arith.constant 0 : index
    %get3A_16 = vector.load %arg3[%get3A_14, %get3A_15] : memref<512x128xbf16, #tpu.memory_space<vmem>>, vector<512x128xbf16>
    %dot_general3A = arith.constant dense<0.000000e+00> : vector<1024x128xf32>
    %dot_general3A_17 = tpu.matmul %convert_element_type3A_10, %get3A_16, %dot_general3A {dimension_numbers = #tpu.dot_dimension_numbers<[1], [0], [0], [1], [0, 0, 1, 1], [], []>, transpose_lhs_hint = false} : vector<1024x512xbf16>, vector<512x128xbf16>, vector<1024x128xf32> -> vector<1024x128xf32>
    %add3A_18 = arith.addf %get3A_13, %dot_general3A_17 : vector<1024x128xf32>
    %swap3A = arith.constant 0 : index
    %swap3A_19 = arith.constant 0 : index
    %swap3A_20 = vector.load %arg5[%swap3A, %swap3A_19] : memref<1024x128xf32, #tpu.memory_space<vmem>>, vector<1024x128xf32>
    tpu.vector_store %arg5[%swap3A, %swap3A_19], %add3A_18 {strides = array<i32>} : memref<1024x128xf32, #tpu.memory_space<vmem>>, vector<1024x128xf32>,
    %get3A_21 = arith.constant 0 : index
    %get3A_22 = arith.constant 0 : index
    %get3A_23 = vector.load %arg6[%get3A_21, %get3A_22] : memref<1024x16xf32, #tpu.memory_space<vmem>>, vector<1024x16xf32>
    %get3A_24 = arith.constant 0 : index
    %get3A_25 = arith.constant 0 : index
    %get3A_26 = vector.load %arg4[%get3A_24, %get3A_25] : memref<512x16xbf16, #tpu.memory_space<vmem>>, vector<512x16xbf16>
    %dot_general3A_27 = arith.constant dense<0.000000e+00> : vector<1024x16xf32>
    %dot_general3A_28 = tpu.matmul %convert_element_type3A_10, %get3A_26, %dot_general3A_27 {dimension_numbers = #tpu.dot_dimension_numbers<[1], [0], [0], [1], [0, 0, 1, 1], [], []>, transpose_lhs_hint = false} : vector<1024x512xbf16>, vector<512x16xbf16>, vector<1024x16xf32> -> vector<1024x16xf32>
    %add3A_29 = arith.addf %get3A_23, %dot_general3A_28 : vector<1024x16xf32>
    %swap3A_30 = arith.constant 0 : index
    %swap3A_31 = arith.constant 0 : index
    %swap3A_32 = vector.load %arg6[%swap3A_30, %swap3A_31] : memref<1024x16xf32, #tpu.memory_space<vmem>>, vector<1024x16xf32>
    tpu.vector_store %arg6[%swap3A_30, %swap3A_31], %add3A_29 {strides = array<i32>} : memref<1024x16xf32, #tpu.memory_space<vmem>>, vector<1024x16xf32>,
    return
  }
  func.func @transform_0(%arg0: i32, %arg1: i32) -> (i32, i32) {
    %c0_i32 = arith.constant 0 : i32
    %c0_i32_0 = arith.constant 0 : i32
    return %c0_i32, %arg1 : i32, i32
  }
  func.func @transform_1(%arg0: i32, %arg1: i32) -> (i32, i32) {
    %c0_i32 = arith.constant 0 : i32
    %c0_i32_0 = arith.constant 0 : i32
    return %arg1, %c0_i32 : i32, i32
  }
  func.func @transform_2(%arg0: i32, %arg1: i32) -> (i32, i32) {
    %c0_i32 = arith.constant 0 : i32
    %c0_i32_0 = arith.constant 0 : i32
    return %arg1, %c0_i32 : i32, i32
  }
  func.func @transform_3(%arg0: i32, %arg1: i32) -> (i32, i32) {
    %c0_i32 = arith.constant 0 : i32
    %c0_i32_0 = arith.constant 0 : i32
    return %arg0, %c0_i32 : i32, i32
  }
  func.func @transform_4(%arg0: i32, %arg1: i32) -> (i32, i32) {
    %c0_i32 = arith.constant 0 : i32
    %c0_i32_0 = arith.constant 0 : i32
    return %arg0, %c0_i32 : i32, i32
  }
}

module attributes {stable_mosaic.version = 14 : i64} {
  func.func @_finalize_body(%arg0: i32, %arg1: memref<1024x128xf32, #tpu.memory_space<vmem>>, %arg2: memref<1024x16xf32, #tpu.memory_space<vmem>>, %arg3: memref<1024x128xf32, #tpu.memory_space<vmem>>, %arg4: memref<1024x128xf32, #tpu.memory_space<vmem>>) attributes {dimension_semantics = [#tpu.dimension_semantics<arbitrary>], iteration_bounds = array<i64: 10>, scalar_prefetch = 0 : i64, scratch_operands = 0 : i64, tpu.core_type = #tpu.core_type<tc>, window_params = [{transform_indices = @transform_0, window_bounds = array<i64: 1024, 128>}, {transform_indices = @transform_1, window_bounds = array<i64: 1024, 16>}, {transform_indices = @transform_2, window_bounds = array<i64: 1024, 128>}, {transform_indices = @transform_3, window_bounds = array<i64: 1024, 128>}]} {
    %get3A = arith.constant 0 : index
    %get3A_0 = arith.constant 0 : index
    %get3A_1 = vector.load %arg1[%get3A, %get3A_0] : memref<1024x128xf32, #tpu.memory_space<vmem>>, vector<1024x128xf32>
    %get3A_2 = arith.constant 0 : index
    %get3A_3 = arith.constant 0 : index
    %get3A_4 = vector.load %arg2[%get3A_2, %get3A_3] : memref<1024x16xf32, #tpu.memory_space<vmem>>, vector<1024x1xf32>
    %get3A_5 = vector.shape_cast %get3A_4 : vector<1024x1xf32> to vector<1024xf32>
    %broadcast_in_dim3A = vector.shape_cast %get3A_5 : vector<1024xf32> to vector<1024x1xf32>
    %gt3A = arith.constant 0.000000e+00 : f32
    %gt3A_6 = vector.broadcast %gt3A : f32 to vector<1024x1xf32>
    %gt3A_7 = arith.cmpf ogt, %broadcast_in_dim3A, %gt3A_6 : vector<1024x1xf32>
    %jit3A = arith.constant 1.000000e+00 : f32
    %broadcast_in_dim3A_8 = vector.broadcast %jit3A : f32 to vector<1024x1xf32>
    %select_n3A = arith.select %gt3A_7, %broadcast_in_dim3A, %broadcast_in_dim3A_8 : vector<1024x1xi1>, vector<1024x1xf32>
    %div3A = vector.broadcast %select_n3A : vector<1024x1xf32> to vector<1024x128xf32>
    %div3A_9 = arith.divf %get3A_1, %div3A : vector<1024x128xf32>
    %gt3A_10 = arith.constant 0.000000e+00 : f32
    %gt3A_11 = vector.broadcast %gt3A_10 : f32 to vector<1024x1xf32>
    %gt3A_12 = arith.cmpf ogt, %broadcast_in_dim3A, %gt3A_11 : vector<1024x1xf32>
    %get3A_13 = arith.constant 0 : index
    %get3A_14 = arith.constant 0 : index
    %get3A_15 = vector.load %arg3[%get3A_13, %get3A_14] : memref<1024x128xf32, #tpu.memory_space<vmem>>, vector<1024x128xf32>
    %broadcast_in_dim3A_16 = vector.shape_cast %gt3A_12 : vector<1024x1xi1> to vector<1024x1xi1>
    %broadcast_in_dim3A_17 = vector.broadcast %broadcast_in_dim3A_16 : vector<1024x1xi1> to vector<1024x128xi1>
    %select_n3A_18 = arith.select %broadcast_in_dim3A_17, %div3A_9, %get3A_15 : vector<1024x128xi1>, vector<1024x128xf32>
    %swap3A = arith.constant 0 : index
    %swap3A_19 = arith.constant 0 : index
    %swap3A_20 = vector.load %arg4[%swap3A, %swap3A_19] : memref<1024x128xf32, #tpu.memory_space<vmem>>, vector<1024x128xf32>
    tpu.vector_store %arg4[%swap3A, %swap3A_19], %select_n3A_18 {strides = array<i32>} : memref<1024x128xf32, #tpu.memory_space<vmem>>, vector<1024x128xf32>,
    return
  }
  func.func @transform_0(%arg0: i32) -> (i32, i32) {
    %c0_i32 = arith.constant 0 : i32
    %c0_i32_0 = arith.constant 0 : i32
    return %arg0, %c0_i32 : i32, i32
  }
  func.func @transform_1(%arg0: i32) -> (i32, i32) {
    %c0_i32 = arith.constant 0 : i32
    %c0_i32_0 = arith.constant 0 : i32
    return %arg0, %c0_i32 : i32, i32
  }
  func.func @transform_2(%arg0: i32) -> (i32, i32) {
    %c0_i32 = arith.constant 0 : i32
    %c0_i32_0 = arith.constant 0 : i32
    return %arg0, %c0_i32 : i32, i32
  }
  func.func @transform_3(%arg0: i32) -> (i32, i32) {
    %c0_i32 = arith.constant 0 : i32
    %c0_i32_0 = arith.constant 0 : i32
    return %arg0, %c0_i32 : i32, i32
  }
}

module attributes {stable_mosaic.version = 14 : i64} {
  func.func @_edge_body(%arg0: i32, %arg1: memref<512x128xf32, #tpu.memory_space<vmem>>, %arg2: memref<512x128xf32, #tpu.memory_space<vmem>>, %arg3: memref<128x128xf32, #tpu.memory_space<vmem>>, %arg4: memref<1x128xf32, #tpu.memory_space<vmem>>, %arg5: memref<1x1xf32, #tpu.memory_space<smem>>, %arg6: memref<512x128xf32, #tpu.memory_space<vmem>>, %arg7: memref<512x16xf32, #tpu.memory_space<vmem>>) attributes {dimension_semantics = [#tpu.dimension_semantics<arbitrary>], iteration_bounds = array<i64: 160>, scalar_prefetch = 0 : i64, scratch_operands = 0 : i64, tpu.core_type = #tpu.core_type<tc>, window_params = [{transform_indices = @transform_0, window_bounds = array<i64: 512, 128>}, {transform_indices = @transform_1, window_bounds = array<i64: 512, 128>}, {pipeline_mode = #tpu.pipeline_mode<synchronous>, transform_indices = @transform_2, window_bounds = array<i64: 128, 128>}, {pipeline_mode = #tpu.pipeline_mode<synchronous>, transform_indices = @transform_3, window_bounds = array<i64: 1, 128>}, {transform_indices = @transform_4, window_bounds = array<i64: 1, 1>}, {transform_indices = @transform_5, window_bounds = array<i64: 512, 128>}, {transform_indices = @transform_6, window_bounds = array<i64: 512, 16>}]} {
    %get3A = arith.constant 0 : index
    %get3A_0 = arith.constant 0 : index
    %get3A_1 = vector.load %arg1[%get3A, %get3A_0] : memref<512x128xf32, #tpu.memory_space<vmem>>, vector<512x128xf32>
    %get3A_2 = arith.constant 0 : index
    %get3A_3 = arith.constant 0 : index
    %get3A_4 = vector.load %arg2[%get3A_2, %get3A_3] : memref<512x128xf32, #tpu.memory_space<vmem>>, vector<512x128xf32>
    %add3A = arith.addf %get3A_1, %get3A_4 : vector<512x128xf32>
    %max3A = arith.constant 0.000000e+00 : f32
    %max3A_5 = vector.broadcast %max3A : f32 to vector<512x128xf32>
    %max3A_6 = arith.maximumf %add3A, %max3A_5 : vector<512x128xf32>
    %get3A_7 = arith.constant 0 : index
    %get3A_8 = arith.constant 0 : index
    %get3A_9 = vector.load %arg3[%get3A_7, %get3A_8] : memref<128x128xf32, #tpu.memory_space<vmem>>, vector<128x128xf32>
    %dot_general3A = arith.constant dense<0.000000e+00> : vector<512x128xf32>
    %dot_general3A_10 = tpu.matmul %max3A_6, %get3A_9, %dot_general3A {dimension_numbers = #tpu.dot_dimension_numbers<[1], [0], [0], [1], [0, 0, 1, 1], [], []>, transpose_lhs_hint = false} : vector<512x128xf32>, vector<128x128xf32>, vector<512x128xf32> -> vector<512x128xf32>
    %get3A_11 = arith.constant 0 : index
    %get3A_12 = arith.constant 0 : index
    %get3A_13 = vector.load %arg4[%get3A_11, %get3A_12] : memref<1x128xf32, #tpu.memory_space<vmem>>, vector<1x128xf32>
    %add3A_14 = vector.broadcast %get3A_13 : vector<1x128xf32> to vector<512x128xf32>
    %add3A_15 = arith.addf %dot_general3A_10, %add3A_14 : vector<512x128xf32>
    %mul3A = arith.mulf %add3A_15, %add3A_15 : vector<512x128xf32>
    %reduce_sum3A = arith.constant dense<0.000000e+00> : vector<512xf32>
    %reduce_sum3A_16 = vector.multi_reduction <add>, %mul3A, %reduce_sum3A [1] : vector<512x128xf32> to vector<512xf32>
    %broadcast_in_dim3A = vector.shape_cast %reduce_sum3A_16 : vector<512xf32> to vector<512x1xf32>
    %sqrt3A = math.sqrt %broadcast_in_dim3A : vector<512x1xf32>
    %mul3A_17 = arith.constant 512 : i32
    %mul3A_18 = arith.muli %arg0, %mul3A_17 : i32
    %iota3A = tpu.iota {dimensions = array<i32: 0>} : vector<512x1xi32>
    %add3A_19 = vector.broadcast %mul3A_18 : i32 to vector<512x1xi32>
    %add3A_20 = arith.addi %add3A_19, %iota3A : vector<512x1xi32>
    %lt3A = arith.constant 80000 : i32
    %lt3A_21 = vector.broadcast %lt3A : i32 to vector<512x1xi32>
    %lt3A_22 = arith.cmpi slt, %add3A_20, %lt3A_21 : vector<512x1xi32>
    %neg3A = arith.constant 0.000000e+00 : f32
    %neg3A_23 = vector.broadcast %neg3A : f32 to vector<512x1xf32>
    %neg3A_24 = arith.subf %neg3A_23, %sqrt3A : vector<512x1xf32>
    %get3A_25 = arith.constant 0 : index
    %get3A_26 = arith.constant 0 : index
    %get3A_27 = memref.load %arg5[%get3A_25, %get3A_26] : memref<1x1xf32, #tpu.memory_space<smem>>
    %mul3A_28 = vector.broadcast %get3A_27 : f32 to vector<512x1xf32>
    %mul3A_29 = arith.mulf %neg3A_24, %mul3A_28 : vector<512x1xf32>
    %exp3A = math.exp %mul3A_29 : vector<512x1xf32>
    %jit3A = arith.constant 0.000000e+00 : f32
    %broadcast_in_dim3A_30 = vector.broadcast %jit3A : f32 to vector<512x1xf32>
    %select_n3A = arith.select %lt3A_22, %exp3A, %broadcast_in_dim3A_30 : vector<512x1xi1>, vector<512x1xf32>
    %mul3A_31 = vector.broadcast %select_n3A : vector<512x1xf32> to vector<512x128xf32>
    %mul3A_32 = arith.mulf %add3A_15, %mul3A_31 : vector<512x128xf32>
    %swap3A = arith.constant 0 : index
    %swap3A_33 = arith.constant 0 : index
    %swap3A_34 = vector.load %arg6[%swap3A, %swap3A_33] : memref<512x128xf32, #tpu.memory_space<vmem>>, vector<512x128xf32>
    tpu.vector_store %arg6[%swap3A, %swap3A_33], %mul3A_32 {strides = array<i32>} : memref<512x128xf32, #tpu.memory_space<vmem>>, vector<512x128xf32>,
    %iota3A_35 = tpu.iota {dimensions = array<i32: 1>} : vector<512x16xi32>
    %eq3A = arith.constant 0 : i32
    %eq3A_36 = vector.broadcast %eq3A : i32 to vector<512x16xi32>
    %eq3A_37 = arith.cmpi eq, %iota3A_35, %eq3A_36 : vector<512x16xi32>
    %jit3A_38 = arith.constant 0.000000e+00 : f32
    %broadcast_in_dim3A_39 = vector.shape_cast %select_n3A : vector<512x1xf32> to vector<512x1xf32>
    %broadcast_in_dim3A_40 = vector.broadcast %broadcast_in_dim3A_39 : vector<512x1xf32> to vector<512x16xf32>
    %broadcast_in_dim3A_41 = vector.broadcast %jit3A_38 : f32 to vector<512x16xf32>
    %select_n3A_42 = arith.select %eq3A_37, %broadcast_in_dim3A_40, %broadcast_in_dim3A_41 : vector<512x16xi1>, vector<512x16xf32>
    %swap3A_43 = arith.constant 0 : index
    %swap3A_44 = arith.constant 0 : index
    %swap3A_45 = vector.load %arg7[%swap3A_43, %swap3A_44] : memref<512x16xf32, #tpu.memory_space<vmem>>, vector<512x16xf32>
    tpu.vector_store %arg7[%swap3A_43, %swap3A_44], %select_n3A_42 {strides = array<i32>} : memref<512x16xf32, #tpu.memory_space<vmem>>, vector<512x16xf32>,
    return
  }
  func.func @transform_0(%arg0: i32) -> (i32, i32) {
    %c0_i32 = arith.constant 0 : i32
    %c0_i32_0 = arith.constant 0 : i32
    return %arg0, %c0_i32 : i32, i32
  }
  func.func @transform_1(%arg0: i32) -> (i32, i32) {
    %c0_i32 = arith.constant 0 : i32
    %c0_i32_0 = arith.constant 0 : i32
    return %arg0, %c0_i32 : i32, i32
  }
  func.func @transform_2(%arg0: i32) -> (i32, i32) {
    %c0_i32 = arith.constant 0 : i32
    %c0_i32_0 = arith.constant 0 : i32
    %c0_i32_1 = arith.constant 0 : i32
    return %c0_i32, %c0_i32_0 : i32, i32
  }
  func.func @transform_3(%arg0: i32) -> (i32, i32) {
    %c0_i32 = arith.constant 0 : i32
    %c0_i32_0 = arith.constant 0 : i32
    %c0_i32_1 = arith.constant 0 : i32
    return %c0_i32, %c0_i32_0 : i32, i32
  }
  func.func @transform_4(%arg0: i32) -> (i32, i32) {
    %c0_i32 = arith.constant 0 : i32
    %c0_i32_0 = arith.constant 0 : i32
    %c0_i32_1 = arith.constant 0 : i32
    return %c0_i32, %c0_i32_0 : i32, i32
  }
  func.func @transform_5(%arg0: i32) -> (i32, i32) {
    %c0_i32 = arith.constant 0 : i32
    %c0_i32_0 = arith.constant 0 : i32
    return %arg0, %c0_i32 : i32, i32
  }
  func.func @transform_6(%arg0: i32) -> (i32, i32) {
    %c0_i32 = arith.constant 0 : i32
    %c0_i32_0 = arith.constant 0 : i32
    return %arg0, %c0_i32 : i32, i32
  }
}

module attributes {stable_mosaic.version = 14 : i64} {
  func.func @_reduce_body(%arg0: i32, %arg1: i32, %arg2: memref<1x512xi32, #tpu.memory_space<vmem>>, %arg3: memref<512x128xbf16, #tpu.memory_space<vmem>>, %arg4: memref<512x16xbf16, #tpu.memory_space<vmem>>, %arg5: memref<1024x128xf32, #tpu.memory_space<vmem>>, %arg6: memref<1024x16xf32, #tpu.memory_space<vmem>>) attributes {dimension_semantics = [#tpu.dimension_semantics<arbitrary>, #tpu.dimension_semantics<arbitrary>], iteration_bounds = array<i64: 10, 160>, scalar_prefetch = 0 : i64, scratch_operands = 0 : i64, tpu.core_type = #tpu.core_type<tc>, window_params = [{transform_indices = @transform_0, window_bounds = array<i64: 1, 512>}, {transform_indices = @transform_1, window_bounds = array<i64: 512, 128>}, {transform_indices = @transform_2, window_bounds = array<i64: 512, 16>}, {transform_indices = @transform_3, window_bounds = array<i64: 1024, 128>}, {transform_indices = @transform_4, window_bounds = array<i64: 1024, 16>}]} {
    %eq3A = arith.constant 0 : i32
    %eq3A_0 = arith.cmpi eq, %arg1, %eq3A : i32
    %convert_element_type3A = arith.extui %eq3A_0 : i1 to i32
    %cond3A = arith.constant 0 : i32
    %cond3A_1 = arith.cmpi ne, %convert_element_type3A, %cond3A : i32
    scf.if %cond3A_1 {
      %broadcast_in_dim3A = arith.constant 0.000000e+00 : f32
      %broadcast_in_dim3A_33 = vector.broadcast %broadcast_in_dim3A : f32 to vector<1024x128xf32>
      %swap3A_34 = arith.constant 0 : index
      %swap3A_35 = arith.constant 0 : index
      %swap3A_36 = vector.load %arg5[%swap3A_34, %swap3A_35] : memref<1024x128xf32, #tpu.memory_space<vmem>>, vector<1024x128xf32>
      tpu.vector_store %arg5[%swap3A_34, %swap3A_35], %broadcast_in_dim3A_33 {strides = array<i32>} : memref<1024x128xf32, #tpu.memory_space<vmem>>, vector<1024x128xf32>,
      %broadcast_in_dim3A_37 = arith.constant 0.000000e+00 : f32
      %broadcast_in_dim3A_38 = vector.broadcast %broadcast_in_dim3A_37 : f32 to vector<1024x16xf32>
      %swap3A_39 = arith.constant 0 : index
      %swap3A_40 = arith.constant 0 : index
      %swap3A_41 = vector.load %arg6[%swap3A_39, %swap3A_40] : memref<1024x16xf32, #tpu.memory_space<vmem>>, vector<1024x16xf32>
      tpu.vector_store %arg6[%swap3A_39, %swap3A_40], %broadcast_in_dim3A_38 {strides = array<i32>} : memref<1024x16xf32, #tpu.memory_space<vmem>>, vector<1024x16xf32>,
    } else {
    }
    %mul3A = arith.constant 1024 : i32
    %mul3A_2 = arith.muli %arg0, %mul3A : i32
    %iota3A = tpu.iota {dimensions = array<i32: 0>} : vector<1024x512xi32>
    %add3A = vector.broadcast %mul3A_2 : i32 to vector<1024x512xi32>
    %add3A_3 = arith.addi %add3A, %iota3A : vector<1024x512xi32>
    %get3A = arith.constant 0 : index
    %get3A_4 = arith.constant 0 : index
    %get3A_5 = vector.load %arg2[%get3A, %get3A_4] : memref<1x512xi32, #tpu.memory_space<vmem>>, vector<1x512xi32>
    %eq3A_6 = vector.broadcast %get3A_5 : vector<1x512xi32> to vector<1024x512xi32>
    %eq3A_7 = arith.cmpi eq, %add3A_3, %eq3A_6 : vector<1024x512xi32>
    %convert_element_type3A_8 = arith.extui %eq3A_7 : vector<1024x512xi1> to vector<1024x512xi32>
    %convert_element_type3A_9 = arith.sitofp %convert_element_type3A_8 : vector<1024x512xi32> to vector<1024x512xf32>
    %convert_element_type3A_10 = arith.truncf %convert_element_type3A_9 : vector<1024x512xf32> to vector<1024x512xbf16>
    %get3A_11 = arith.constant 0 : index
    %get3A_12 = arith.constant 0 : index
    %get3A_13 = vector.load %arg5[%get3A_11, %get3A_12] : memref<1024x128xf32, #tpu.memory_space<vmem>>, vector<1024x128xf32>
    %get3A_14 = arith.constant 0 : index
    %get3A_15 = arith.constant 0 : index
    %get3A_16 = vector.load %arg3[%get3A_14, %get3A_15] : memref<512x128xbf16, #tpu.memory_space<vmem>>, vector<512x128xbf16>
    %dot_general3A = arith.constant dense<0.000000e+00> : vector<1024x128xf32>
    %dot_general3A_17 = tpu.matmul %convert_element_type3A_10, %get3A_16, %dot_general3A {dimension_numbers = #tpu.dot_dimension_numbers<[1], [0], [0], [1], [0, 0, 1, 1], [], []>, transpose_lhs_hint = false} : vector<1024x512xbf16>, vector<512x128xbf16>, vector<1024x128xf32> -> vector<1024x128xf32>
    %add3A_18 = arith.addf %get3A_13, %dot_general3A_17 : vector<1024x128xf32>
    %swap3A = arith.constant 0 : index
    %swap3A_19 = arith.constant 0 : index
    %swap3A_20 = vector.load %arg5[%swap3A, %swap3A_19] : memref<1024x128xf32, #tpu.memory_space<vmem>>, vector<1024x128xf32>
    tpu.vector_store %arg5[%swap3A, %swap3A_19], %add3A_18 {strides = array<i32>} : memref<1024x128xf32, #tpu.memory_space<vmem>>, vector<1024x128xf32>,
    %get3A_21 = arith.constant 0 : index
    %get3A_22 = arith.constant 0 : index
    %get3A_23 = vector.load %arg6[%get3A_21, %get3A_22] : memref<1024x16xf32, #tpu.memory_space<vmem>>, vector<1024x16xf32>
    %get3A_24 = arith.constant 0 : index
    %get3A_25 = arith.constant 0 : index
    %get3A_26 = vector.load %arg4[%get3A_24, %get3A_25] : memref<512x16xbf16, #tpu.memory_space<vmem>>, vector<512x16xbf16>
    %dot_general3A_27 = arith.constant dense<0.000000e+00> : vector<1024x16xf32>
    %dot_general3A_28 = tpu.matmul %convert_element_type3A_10, %get3A_26, %dot_general3A_27 {dimension_numbers = #tpu.dot_dimension_numbers<[1], [0], [0], [1], [0, 0, 1, 1], [], []>, transpose_lhs_hint = false} : vector<1024x512xbf16>, vector<512x16xbf16>, vector<1024x16xf32> -> vector<1024x16xf32>
    %add3A_29 = arith.addf %get3A_23, %dot_general3A_28 : vector<1024x16xf32>
    %swap3A_30 = arith.constant 0 : index
    %swap3A_31 = arith.constant 0 : index
    %swap3A_32 = vector.load %arg6[%swap3A_30, %swap3A_31] : memref<1024x16xf32, #tpu.memory_space<vmem>>, vector<1024x16xf32>
    tpu.vector_store %arg6[%swap3A_30, %swap3A_31], %add3A_29 {strides = array<i32>} : memref<1024x16xf32, #tpu.memory_space<vmem>>, vector<1024x16xf32>,
    return
  }
  func.func @transform_0(%arg0: i32, %arg1: i32) -> (i32, i32) {
    %c0_i32 = arith.constant 0 : i32
    %c0_i32_0 = arith.constant 0 : i32
    return %c0_i32, %arg1 : i32, i32
  }
  func.func @transform_1(%arg0: i32, %arg1: i32) -> (i32, i32) {
    %c0_i32 = arith.constant 0 : i32
    %c0_i32_0 = arith.constant 0 : i32
    return %arg1, %c0_i32 : i32, i32
  }
  func.func @transform_2(%arg0: i32, %arg1: i32) -> (i32, i32) {
    %c0_i32 = arith.constant 0 : i32
    %c0_i32_0 = arith.constant 0 : i32
    return %arg1, %c0_i32 : i32, i32
  }
  func.func @transform_3(%arg0: i32, %arg1: i32) -> (i32, i32) {
    %c0_i32 = arith.constant 0 : i32
    %c0_i32_0 = arith.constant 0 : i32
    return %arg0, %c0_i32 : i32, i32
  }
  func.func @transform_4(%arg0: i32, %arg1: i32) -> (i32, i32) {
    %c0_i32 = arith.constant 0 : i32
    %c0_i32_0 = arith.constant 0 : i32
    return %arg0, %c0_i32 : i32, i32
  }
}

</mosaic_0001>

<sc_bundles>
// kernel: kernel.17.cloned.1.call-start
scs
__scs_entry_jumppad:
0x0: {  	(pc) =	sbr.rel $0x88, $3  }
0x1: {  	(tag) =	ssettag $0x0;
	lr =	simm.s32 $0x1  }
0x2: {  	[smem:$0x3F8F] =	sst lr;
	_ =	strace $0xD0000000  }
0x3: {  	_ = 	snop  }
0x4: {  	_ = 	snop  }
0x5: {  	_ = 	snop  }
0x6: {  	_ = 	snop  }
0x7: {  	_ = 	snop  }
__scs_overlays_trampoline_lowered:
0x8: {  	[smem:$0x3F9E] =	sst s0  }
0x9: {  	[smem:$0x3F9F] =	sst s1  }
0xa: {  	[smem:$0x3FA0] =	sst s2  }
0xb: {  	[smem:$0x3FA1] =	sst s3  }
0xc: {  	[smem:$0x3FA2] =	sst s4  }
0xd: {  	[smem:$0x3FA3] =	sst s5  }
0xe: {  	[smem:$0x3FA4] =	sst s6  }
0xf: {  	[smem:$0x3FA5] =	sst s7  }
0x10: {  	[smem:$0x3FA6] =	sst s8  }
0x11: {  	[smem:$0x3FA7] =	sst s9;
	s0 =	simm.s32 @!p0 $0x0  }
0x12: {  	s1 =	sld [smem:$0x3F8D];
	s0 =	simm.s32 @p0 $0x1  }
0x13: {  	[smem:$0x3FA8] =	sst s0;
	s0 =	simm.s32 @!p1 $0x0  }
0x14: {  	s2 =	sld [smem:$0x3F8C];
	s0 =	simm.s32 @p1 $0x1  }
0x15: {  	[smem:$0x3FA9] =	sst s0;
	s0 =	simm.s32 @!p2 $0x0  }
0x16: {  	s3 =	sld [smem:$0x3FDB];
	s0 =	simm.s32 @p2 $0x1  }
0x17: {  	s4 =	simm.s32 $0x1BF5;
	[smem:$0x3FAB] =	sst s0  }
0x18: {  	s0 =	sld [smem:$0x3F8E];
	_ =	swait.ge [sflag:s4], $0x0  }
0x19: {  	s7 =	sld [smem:$0x3F8F]  }
0x1a: {  	s8 =	sadd.s32 $0xFFFFE003, lr  }
0x1b: {  	s9 =	sadd.s32 $0xFFFFFEF7, lr;
	s5 =	simm.s32 $0xFFFFFFFF;
	p2 =	slt.u32 s8, $0xFFFFF086  }
0x1c: {  	p1 =	slt.u32 s9, $0xF7A;
	s5 =	simm.s32 @!p2 $0x0  }
0x1d: {  	s5 =	simm.s32 @p1 $0x1;
	p0 =	seq.s32 s7, s2  }
0x1e: {  	s7 =	smul.u32 @!p0 $0xF7A, s2;
	p2 =	seq.s32 @!p0 s5, $0x0  }
0x1f: {  	s9 =	smul.u32 $0xF7A, s1;
	s8 =	simm.s32 @!p0 $0x1BF5;
	p2 =	por !p2, p0  }
0x20: {  	[sflag:s8] =	ssyncset.s32 @!p0 $0xFFFFF086;
	s6 =	sadd.s32 @!p0 s3, s7;
	s7 =	simm.s32 @!p0 $0x108  }
0x21: {  	s3 =	sadd.s32 s3, s9;
	s6 =	sadd.s32 @!p0 $0x88, s6;
	s7 =	simm.s32 @p2 $0x1082  }
0x22: {  	[simem:s7], [sflag:s8] =	dma.local @!p0 [hbm:s6], $0xF7A  }
0x23: {  	s9 =	sor.u32 $0xD0000000, s2;
	s6 =	simm.s32 $0x108;
	_ =	swait.ge @!p0 [sflag:s8], $0x0  }
0x24: {  	s3 =	sadd.s32 $0x88, s3;
	s6 =	simm.s32 @!p1 $0x1082;
	[sflag:s4] =	ssyncset.s32 $0xFFFFF086  }
0x25: {  	[simem:s6], [sflag:s4] =	dma.local [hbm:s3], $0xF7A  }
0x26: {  	[smem:$0x3F8F] =	sst s1;
	(tag) =	ssettag s2;
	_ =	strace s9  }
0x27: {  	s1 =	sld [smem:$0x3F9F]  }
0x28: {  	s2 =	sld [smem:$0x3FA0]  }
0x29: {  	s4 =	sld [smem:$0x3FA2]  }
0x2a: {  	p0 =	seq.s32 s5, $0x0;
	s5 =	sld [smem:$0x3FA3]  }
0x2b: {  	s6 =	sld [smem:$0x3FA4]  }
0x2c: {  	s7 =	sld [smem:$0x3FA5]  }
0x2d: {  	s3 =	simm.s32 $0x108;
	s8 =	sld [smem:$0x3FA6]  }
0x2e: {  	s3 =	simm.s32 @!p0 $0x1082;
	s9 =	sld [smem:$0x3FA7]  }
0x2f: {  	lr =	sadd.s32 s0, s3;
	s0 =	sld [smem:$0x3F9E]  }
0x30: {  	s3 =	sld [smem:$0x3FA1]  }
0x31: {  	[smem:$0x3FAA] =	sst s10  }
0x32: {  	s10 =	sld [smem:$0x3FA8];
	_ =	sdelay $0x3  }
0x33: {  	p0 =	seq.s32 s10, $0x1;
	s10 =	sld [smem:$0x3FAA];
	_ =	sdelay $0x3  }
0x34: {  	[smem:$0x3FAA] =	sst s10  }
0x35: {  	s10 =	sld [smem:$0x3FA9];
	_ =	sdelay $0x3  }
0x36: {  	p1 =	seq.s32 s10, $0x1;
	s10 =	sld [smem:$0x3FAA];
	_ =	sdelay $0x3  }
0x37: {  	[smem:$0x3FAA] =	sst s10  }
0x38: {  	s10 =	sld [smem:$0x3FAB]  }
0x39: {  	_ = 	snop;
	(pc) =	sbr.ind lr, $3  }
0x3a: {  	_ = 	snop  }
0x3b: {  	_ = 	snop  }
0x3c: {  	p2 =	seq.s32 s10, $0x1;
	s10 =	sld [smem:$0x3FAA]  }
0x3d: {  	_ =	shalt  }
0x3e: {  	_ =	shalt  }
0x3f: {  	_ =	shalt  }
0x40: {  	_ =	shalt  }
0x41: {  	_ =	shalt  }
0x42: {  	_ =	shalt  }
0x43: {  	_ =	shalt  }
0x44: {  	_ =	shalt  }
0x45: {  	_ =	shalt  }
0x46: {  	_ =	shalt  }
0x47: {  	_ =	shalt  }
0x48: {  	_ =	shalt  }
0x49: {  	_ =	shalt  }
0x4a: {  	_ =	shalt  }
0x4b: {  	_ =	shalt  }
0x4c: {  	_ =	shalt  }
0x4d: {  	_ =	shalt  }
0x4e: {  	_ =	shalt  }
0x4f: {  	_ =	shalt  }
0x50: {  	_ =	shalt  }
0x51: {  	_ =	shalt  }
0x52: {  	_ =	shalt  }
0x53: {  	_ =	shalt  }
0x54: {  	_ =	shalt  }
0x55: {  	_ =	shalt  }
0x56: {  	_ =	shalt  }
0x57: {  	_ =	shalt  }
0x58: {  	_ =	shalt  }
0x59: {  	_ =	shalt  }
0x5a: {  	_ =	shalt  }
0x5b: {  	_ =	shalt  }
0x5c: {  	_ =	shalt  }
0x5d: {  	_ =	shalt  }
0x5e: {  	_ =	shalt  }
0x5f: {  	_ =	shalt  }
0x60: {  	_ =	shalt  }
0x61: {  	_ =	shalt  }
0x62: {  	_ =	shalt  }
0x63: {  	_ =	shalt  }
0x64: {  	_ =	shalt  }
0x65: {  	_ =	shalt  }
0x66: {  	_ =	shalt  }
0x67: {  	_ =	shalt  }
0x68: {  	_ =	shalt  }
0x69: {  	_ =	shalt  }
0x6a: {  	_ =	shalt  }
0x6b: {  	_ =	shalt  }
0x6c: {  	_ =	shalt  }
0x6d: {  	_ =	shalt  }
0x6e: {  	_ =	shalt  }
0x6f: {  	_ =	shalt  }
0x70: {  	_ =	shalt  }
0x71: {  	_ =	shalt  }
0x72: {  	_ =	shalt  }
0x73: {  	_ =	shalt  }
0x74: {  	_ =	shalt  }
0x75: {  	_ =	shalt  }
0x76: {  	_ =	shalt  }
0x77: {  	_ =	shalt  }
0x78: {  	_ =	shalt  }
0x79: {  	_ =	shalt  }
0x7a: {  	_ =	shalt  }
0x7b: {  	_ =	shalt  }
0x7c: {  	_ =	shalt  }
0x7d: {  	_ =	shalt  }
0x7e: {  	_ =	shalt  }
0x7f: {  	_ =	shalt  }
0x80: {  	_ =	shalt  }
0x81: {  	_ =	shalt  }
0x82: {  	_ =	shalt  }
0x83: {  	_ =	shalt  }
0x84: {  	_ =	shalt  }
0x85: {  	_ =	shalt  }
0x86: {  	_ =	shalt  }
0x87: {  	_ =	shalt  }
.Lfunc_end0:
.L_simem_size_0:
called_computation_lowered:
.L_overlay_start_0:
0x88: {  	s2 =	sld [smem:$0x3FD9]  }
0x89: {  	s3 =	sld [smem:$0x3FFE];
	_ =	sdelay $0x1  }
0x8a: {  	s1 =	srdreg.scid  }
0x8b: {  	s0 =	sand.u32 $0x1, s1  }
0x8c: {  	s14 =	sshll.u32 s0, $0xA;
	s2 =	sadd.s32 s3, s2  }
0x8d: {  	s2 =	sadd.s32 s2, s14  }
0x8e: {  	[smem:$0x3FB6] =	sst s2  }
0x8f: {  	_ = 	snop  }
0x90: {  	s2 =	sld [smem:$0x3FD0];
	_ =	sdelay $0x2  }
0x91: {  	s15 =	simm.s32 $0xA;
	s4 =	simm.s32 $0x10  }
0x92: {  	[smem:s4], [sflag:s15] =	dma.local [hbm:s2], $0x1  }
0x93: {  	_ =	swait.eq [sflag:s15], $0x1  }
0x94: {  	[sflag:s15] =	ssyncset.done $0x0  }
0x95: {  	s16 =	sld [smem:$0x10];
	[sflag:s15] =	ssyncadd.s32 $0xFFFFFFFF  }
0x96: {  	s17 =	sld [smem:$0x11];
	(tm) =	ssettm $0x1  }
0x97: {  	s18 =	sld [smem:$0x3FFB];
	_ =	sdelay $0x3  }
0x98: {  	_ =	strace s18  }
0x99: {  	s4 =	sld [smem:$0x3FFC];
	_ =	sdelay $0x3  }
0x9a: {  	_ =	strace s4  }
0x9b: {  	s4 =	sld [smem:$0x3FFD];
	_ =	sdelay $0x3  }
0x9c: {  	_ =	strace s4  }
0x9d: {  	_ =	strace $0x8FFFFFFF  }
0x9e: {  	s19 =	sld [smem:$0x3FDB];
	_ =	sdelay $0x1  }
0x9f: {  	s5 =	simm.s32 $_scs_section_size  }
0xa0: {  	s6 =	simm.s32 $_size__tile_overlayer_lowered;
	s7 =	simm.s32 $_tile_overlayer_lowered  }
0xa1: {  	s22 =	simm.s32 $0x1BFF;
	s21 =	sshll.u32 s7, $0x1;
	s4 =	sadd.s32 s5, s19  }
0xa2: {  	s8 =	simm.s32 $0x0;
	s20 =	sshll.u32 s6, $0x1;
	s6 =	sadd.s32 s21, s4  }
0xa3: {  	[timem:s8], [sflag:s22] =	dma.local [hbm:s6], s20  }
0xa4: {  	_ =	swait.ge [sflag:s22], s20  }
0xa5: {  	s5 =	ssub.s32 $0x0, s20;
	[sflag:s22] =	ssyncset.done $0x0  }
0xa6: {  	[sflag:s22] =	ssyncadd.s32 s5;
	_ =	sdelay $0x1  }
0xa7: {  	s23 =	simm.s32 $0x1B8B  }
0xa8: {  	_ =	swait.ge [sflag:s23], $0x1  }
0xa9: {  	[sflag:s23] =	ssyncset.done $0x0  }
0xaa: {  	s25 =	simm.s32 $0x1B8E;
	s24 =	sld [smem:$0x3FFE];
	[sflag:s23] =	ssyncadd.s32 $0xFFFFFFFF  }
0xab: {  	s26 =	simm.s32 $execute0_lowered;
	[smem:$0x3FD2] =	sst s25  }
0xac: {  	s6 =	sshll.u32 s26, $0x1;
	_ =	strace $0x80000046;
	[dreg:$0x1] =	wrdreg $0xFFFFFFFF  }
0xad: {  	s28 =	simm.s32 $_size_execute0_lowered;
	s4 =	sadd.s32 s4, s6;
	[dreg:$0x0] =	wrdreg $0x0  }
0xae: {  	s6 =	sshll.u32 s28, $0x1;
	[dreg:$0x2] =	wrdreg s4  }
0xaf: {  	[dreg:$0x3] =	wrdreg s6  }
0xb0: {  	[dreg:$0x4] =	wrdreg $0xC0  }
0xb1: {  	_ =	task [dreg:s8], $0x5FFFF  }
0xb2: {  	[dreg:$0x1] =	wrdreg $0xFFFFFFFF  }
0xb3: {  	[dreg:$0x0] =	wrdreg $0x60  }
0xb4: {  	[dreg:$0x2] =	wrdreg s17  }
0xb5: {  	[dreg:$0x3] =	wrdreg s16  }
0xb6: {  	[dreg:$0x4] =	wrdreg s24  }
0xb7: {  	[dreg:$0x5] =	wrdreg $0x9  }
0xb8: {  	_ =	task.clear_ibuf [dreg:s8], $0x6FFFF;
	_ =	strace $0x90000046  }
0xb9: {  	s29 =	simm.s32 $0x9;
	_ =	strace $0x80000048  }
0xba: {  	_ =	swait.ge [sflag:s29], $0x1  }
0xbb: {  	[sflag:s29] =	ssyncadd.s32 $0xFFFFFFFF  }
0xbc: {  	_ =	strace $0x90000048  }
0xbd: {  	_ =	sfence  }
0xbe: {  	s30 =	sld [smem:$0x0];
	_ =	sdelay $0x2  }
0xbf: {  	s31 =	sshll.u32 s1, $0xD;
	s1 =	sshrl.u32 s1, $0x2  }
0xc0: {  	s3 =	sand.u32 $0x4000, s31;
	s1 =	sadd.s32 s1, s30  }
0xc1: {  	s0 =	sor.u32 s3, s0;
	s1 =	sshll.u32 s1, $0x11  }
0xc2: {  	s0 =	sor.u32 s1, s0  }
0xc3: {  	s0 =	sadd.s32 $0x8F2B, s0  }
0xc4: {  	[sflag:s0] =	ssyncadd.remote.s32 $0x1  }
0xc5: {  	_ =	sfence.sel $0xFFFF  }
0xc6: {  	[dreg:$0x0] =	wrdreg $0xFFFFFFFF;
	(pc) =	sbr.abs _section_cstart, $3  }
0xc7: {  	[dreg:$0x1] =	wrdreg $0xFFFFFFFF  }
0xc8: {  	_ =	task.clear_ibuf [dreg:s8], $0x2FFFF;
	_ =	strace $0x9FFFFFFF  }
0xc9: {  	(tm) =	ssettm $0x7FFFFFFF  }
tec
execute0_lowered:
.L_overlay_start_1:
0x0: {  	(tag) =	ssettag $0x1  }
0x1: {  	s1 =	rddreg [dreg:$0x0]  }
0x2: {  	s3 =	rddreg [dreg:$0x1]  }
0x3: {  	s5 =	rddreg [dreg:$0x2]  }
0x4: {  	s0 =	rddreg [dreg:$0x3]  }
0x5: {  	s6 =	srdreg.scid;
	s2 =	stileid.u32;
	s4 =	simm.s32 $0x0  }
0x6: {  	s12 =	simm.s32 $0x100;
	s13 =	simm.s32 $0x4100;
	s7 =	smul.u32 $0x2800, s2  }
0x7: {  	s14 =	simm.s32 $0x1;
	s6 =	sand.u32 $0x1, s6;
	s9 =	smul.u32 $0x28000, s2  }
0x8: {  	s15 =	simm.s32 $0x2;
	s16 =	simm.s32 $0x0;
	s8 =	smul.u32 $0x1400, s6  }
0x9: {  	[smem:$0x7FF] =	sst s4;
	s29 =	ssub.s32 $0x2, s6;
	s6 =	smul.u32 $0x14000, s6  }
0xa: {  	_ =	strace $0x80000047;
	s9 =	sadd.s32 s9, s5;
	s10 =	sshrl.u32 s29, $0x1  }
0xb: {  	s7 =	sadd.s32 s8, s7;
	s30 =	ssub.s32 s29, s10;
	s31 =	sadd.s32 s6, s9  }
0xc: {  	s10 =	simm.s32 $0x3;
	s7 =	sshrl.u32 s7, $0x3;
	s6 =	sadd.s32 $0x10800, s31  }
0xd: {  	s11 =	sadd.s32 s7, s5;
	s5 =	smax.u32 s30, $0x1;
	s7 =	sadd.s32 $0x290800, s31  }
0xe: {  	s8 =	sadd.s32 $0x6800, s11;
	s9 =	sadd.s32 $0xB800, s11;
	s11 =	simm.s32 $0x80  }
.LBB2_1:
0xf: {  	s17 =	sadd.s32 $0x0, s9  }
0x10: {  	[tilespmem:s4], [sflag:$0x3] =	stream.linear.gather [hbm4b:s17+s4], $0x80, $0x38;
	[tilespmem:$0x8100] =	vst v63  }
0x11: {  	_ =	swait.ge [sflag:s10], $0x80  }
0x12: {  	[sflag:s10] =	ssyncset.done $0x0  }
0x13: {  	s31 =	sadd.s32 $0x0, s8;
	[sflag:s10] =	ssyncadd.s32 $0xFFFFFF80  }
0x14: {  	[tilespmem:s11], [sflag:$0x3] =	stream.linear.gather [hbm4b:s31+s4], $0x80, $0x38;
	[tilespmem:$0x8100] =	vst v63  }
0x15: {  	_ =	swait.ge [sflag:s10], $0x80  }
0x16: {  	[sflag:s10] =	ssyncset.done $0x0  }
0x17: {  	[sflag:s10] =	ssyncadd.s32 $0xFFFFFF80  }
0x18: {  	[tilespmem:s12], [sflag:$0x1] =	stream.indirect.gather [hbm4b:s1+s11], $0x80, s4, s11, $0xb8;
	[tilespmem:$0x8100] =	vst v63  }
0x19: {  	_ = 	snop  }
0x1a: {  	[tilespmem:s13], [sflag:$0x2] =	stream.indirect.gather [hbm4b:s3+s11], $0x80, s11, s11, $0xb8;
	[tilespmem:$0x8100] =	vst v63  }
0x1b: {  	_ =	swait.ge [sflag:s14], $0x4000  }
0x1c: {  	[sflag:s14] =	ssyncset.done $0x0  }
0x1d: {  	[sflag:s14] =	ssyncadd.s32 $0xFFFFC000  }
0x1e: {  	_ =	swait.ge [sflag:s15], $0x4000  }
0x1f: {  	[sflag:s15] =	ssyncset.done $0x0  }
0x20: {  	[sflag:s15] =	ssyncadd.s32 $0xFFFFC000  }
0x21: {  	[hbm4b:s6+s4] =	stream.linear.scatter [tilespmem:s12], [sflag:$0x3], $0x4000, $0x38;
	[tilespmem:$0x8100] =	vst v63  }
0x22: {  	_ =	swait.ge [sflag:s10], $0x4000  }
0x23: {  	[sflag:s10] =	ssyncset.done $0x0  }
0x24: {  	[sflag:s10] =	ssyncadd.s32 $0xFFFFC000  }
0x25: {  	[hbm4b:s7+s4] =	stream.linear.scatter [tilespmem:s13], [sflag:$0x3], $0x4000, $0x38;
	[tilespmem:$0x8100] =	vst v63  }
0x26: {  	s19 =	simm.s32 $0x10;
	s20 =	simm.s32 $0x20;
	_ =	swait.ge [sflag:s10], $0x4000  }
0x27: {  	s18 =	sadd.s32 $0x800, s6;
	s17 =	sadd.s32 $0x800, s7;
	[sflag:s10] =	ssyncset.done $0x0  }
.LBB2_2:
0x28: {  	s21 =	sadd.s32 s19, s9  }
0x29: {  	[sflag:s10] =	ssyncadd.s32 $0xFFFFC000;
	s22 =	smov.u32 s20;
	s23 =	sadd.s32 $0x10, s20  }
0x2a: {  	[tilespmem:s4], [sflag:$0x3] =	stream.linear.gather [hbm4b:s21+s4], $0x80, $0x38;
	[tilespmem:$0x8100] =	vst v63  }
0x2b: {  	p0 =	sne.s32 s20, $0x270;
	_ =	swait.ge [sflag:s10], $0x80  }
0x2c: {  	[sflag:s10] =	ssyncset.done $0x0  }
0x2d: {  	s20 =	sadd.s32 s19, s8;
	s19 =	smov.u32 s22;
	[sflag:s10] =	ssyncadd.s32 $0xFFFFFF80  }
0x2e: {  	[tilespmem:s11], [sflag:$0x3] =	stream.linear.gather [hbm4b:s20+s4], $0x80, $0x38;
	[tilespmem:$0x8100] =	vst v63  }
0x2f: {  	_ =	swait.ge [sflag:s10], $0x80  }
0x30: {  	[sflag:s10] =	ssyncset.done $0x0  }
0x31: {  	[sflag:s10] =	ssyncadd.s32 $0xFFFFFF80  }
0x32: {  	[tilespmem:s12], [sflag:$0x1] =	stream.indirect.gather [hbm4b:s1+s11], $0x80, s4, s11, $0xb8;
	[tilespmem:$0x8100] =	vst v63  }
0x33: {  	_ = 	snop  }
0x34: {  	[tilespmem:s13], [sflag:$0x2] =	stream.indirect.gather [hbm4b:s3+s11], $0x80, s11, s11, $0xb8;
	[tilespmem:$0x8100] =	vst v63  }
0x35: {  	_ =	swait.ge [sflag:s14], $0x4000  }
0x36: {  	[sflag:s14] =	ssyncset.done $0x0  }
0x37: {  	[sflag:s14] =	ssyncadd.s32 $0xFFFFC000  }
0x38: {  	_ =	swait.ge [sflag:s15], $0x4000  }
0x39: {  	[sflag:s15] =	ssyncset.done $0x0  }
0x3a: {  	[sflag:s15] =	ssyncadd.s32 $0xFFFFC000  }
0x3b: {  	[hbm4b:s18+s4] =	stream.linear.scatter [tilespmem:s12], [sflag:$0x3], $0x4000, $0x38;
	[tilespmem:$0x8100] =	vst v63  }
0x3c: {  	_ =	swait.ge [sflag:s10], $0x4000  }
.Ltmp0:
0x3d: {  	[sflag:s10] =	ssyncset.done $0x0;
	(pc) =	sbr.rel @p0 .LBB2_2-.Ltmp0, $4  }
0x3e: {  	[sflag:s10] =	ssyncadd.s32 $0xFFFFC000  }
0x3f: {  	[hbm4b:s17+s4] =	stream.linear.scatter [tilespmem:s13], [sflag:$0x3], $0x4000, $0x38;
	[tilespmem:$0x8100] =	vst v63  }
0x40: {  	s20 =	smov.u32 s23;
	_ =	swait.ge [sflag:s10], $0x4000  }
0x41: {  	s18 =	sadd.s32 $0x800, s18;
	s17 =	sadd.s32 $0x800, s17;
	[sflag:s10] =	ssyncset.done $0x0  }
0x42: {  	s20 =	sadd.s32 s19, s9;
	[sflag:s10] =	ssyncadd.s32 $0xFFFFC000  }
0x43: {  	[tilespmem:s4], [sflag:$0x3] =	stream.linear.gather [hbm4b:s20+s4], $0x80, $0x38;
	[tilespmem:$0x8100] =	vst v63  }
0x44: {  	_ =	swait.ge [sflag:s10], $0x80  }
0x45: {  	[sflag:s10] =	ssyncset.done $0x0  }
0x46: {  	s31 =	sadd.s32 s19, s8;
	[sflag:s10] =	ssyncadd.s32 $0xFFFFFF80  }
0x47: {  	[tilespmem:s11], [sflag:$0x3] =	stream.linear.gather [hbm4b:s31+s4], $0x80, $0x38;
	[tilespmem:$0x8100] =	vst v63  }
0x48: {  	_ =	swait.ge [sflag:s10], $0x80  }
0x49: {  	[sflag:s10] =	ssyncset.done $0x0  }
0x4a: {  	[sflag:s10] =	ssyncadd.s32 $0xFFFFFF80  }
0x4b: {  	[tilespmem:s12], [sflag:$0x1] =	stream.indirect.gather [hbm4b:s1+s11], $0x80, s4, s11, $0xb8;
	[tilespmem:$0x8100] =	vst v63  }
0x4c: {  	_ = 	snop  }
0x4d: {  	[tilespmem:s13], [sflag:$0x2] =	stream.indirect.gather [hbm4b:s3+s11], $0x80, s11, s11, $0xb8;
	[tilespmem:$0x8100] =	vst v63  }
0x4e: {  	_ =	swait.ge [sflag:s14], $0x4000  }
0x4f: {  	[sflag:s14] =	ssyncset.done $0x0  }
0x50: {  	[sflag:s14] =	ssyncadd.s32 $0xFFFFC000  }
0x51: {  	_ =	swait.ge [sflag:s15], $0x4000  }
0x52: {  	[sflag:s15] =	ssyncset.done $0x0  }
0x53: {  	[sflag:s15] =	ssyncadd.s32 $0xFFFFC000  }
0x54: {  	[hbm4b:s18+s4] =	stream.linear.scatter [tilespmem:s12], [sflag:$0x3], $0x4000, $0x38;
	[tilespmem:$0x8100] =	vst v63  }
0x55: {  	s16 =	sadd.s32 $0x1, s16;
	_ =	swait.ge [sflag:s10], $0x4000  }
0x56: {  	p0 =	sne.s32 s16, s5;
	[sflag:s10] =	ssyncset.done $0x0  }
.Ltmp1:
0x57: {  	[sflag:s10] =	ssyncadd.s32 $0xFFFFC000;
	(pc) =	sbr.rel @p0 .LBB2_1-.Ltmp1, $4  }
0x58: {  	[hbm4b:s17+s4] =	stream.linear.scatter [tilespmem:s13], [sflag:$0x3], $0x4000, $0x38;
	[tilespmem:$0x8100] =	vst v63  }
0x59: {  	_ =	swait.ge [sflag:s10], $0x4000  }
0x5a: {  	[sflag:s10] =	ssyncset.done $0x0  }
0x5b: {  	[sflag:s10] =	ssyncadd.s32 $0xFFFFC000  }
0x5c: {  	_ =	sfence.sel $0x180000  }
0x5d: {  	[bflag:$0x0] =	sbarrier.arrive $0xFFFF  }
0x5e: {  	p0 =	sne.s32 s2, $0x0;
	_ =	strace $0x90000047  }
0x5f: {  	s0 =	sadd.s32 @!p0 $0x100000, s0;
	[bflag:$0x2] =	sbarrier.arrive $0xFFFF  }
0x60: {  	[sflag:s0] =	ssyncadd.tile.s32 @!p0 $0x1;
	_ =	shalt  }
.Lfunc_end2:
_tile_overlayer_lowered:
.L_overlay_start_2:
0x61: {  	(tag) =	ssettag $0x2  }
0x62: {  	s0 =	rddreg [dreg:$0x0];
	s2 =	stileid.u32  }
0x63: {  	s1 =	rddreg [dreg:$0x1];
	p0 =	sne.s32 s2, $0x0  }
0x64: {  	s3 =	rddreg [dreg:$0x2];
	[bflag:$0x3] =	sbarrier.arrive $0xFFFF;
	s2 =	simm.s32 @!p0 $0x1C03  }
0x65: {  	[timem:s3], [sflag:s2] =	dma.local @!p0 [hbm:s0], s1  }
0x66: {  	s0 =	simm.s32 @!p0 $0x3  }
0x67: {  	_ =	swait.ge @!p0 [sflag:s0], s1  }
0x68: {  	s1 =	ssub.s32 @!p0 $0x0, s1;
	[sflag:s0] =	ssyncset.done @!p0 $0x0  }
0x69: {  	[sflag:s0] =	ssyncadd.s32 @!p0 s1  }
0x6a: {  	[bflag:$0x3] =	sbarrier.arrive $0xFFFF  }
0x6b: {  	_ =	shalt  }

// kernel: kernel.20.cloned.1.call-start
scs
__scs_entry_jumppad:
0x0: {  	(pc) =	sbr.rel $0x88, $3  }
0x1: {  	(tag) =	ssettag $0x0;
	lr =	simm.s32 $0x1  }
0x2: {  	[smem:$0x3F8F] =	sst lr;
	_ =	strace $0xD0000000  }
0x3: {  	_ = 	snop  }
0x4: {  	_ = 	snop  }
0x5: {  	_ = 	snop  }
0x6: {  	_ = 	snop  }
0x7: {  	_ = 	snop  }
__scs_overlays_trampoline_lowered:
0x8: {  	[smem:$0x3F9E] =	sst s0  }
0x9: {  	[smem:$0x3F9F] =	sst s1  }
0xa: {  	[smem:$0x3FA0] =	sst s2  }
0xb: {  	[smem:$0x3FA1] =	sst s3  }
0xc: {  	[smem:$0x3FA2] =	sst s4  }
0xd: {  	[smem:$0x3FA3] =	sst s5  }
0xe: {  	[smem:$0x3FA4] =	sst s6  }
0xf: {  	[smem:$0x3FA5] =	sst s7  }
0x10: {  	[smem:$0x3FA6] =	sst s8  }
0x11: {  	[smem:$0x3FA7] =	sst s9;
	s0 =	simm.s32 @!p0 $0x0  }
0x12: {  	s1 =	sld [smem:$0x3F8D];
	s0 =	simm.s32 @p0 $0x1  }
0x13: {  	[smem:$0x3FA8] =	sst s0;
	s0 =	simm.s32 @!p1 $0x0  }
0x14: {  	s2 =	sld [smem:$0x3F8C];
	s0 =	simm.s32 @p1 $0x1  }
0x15: {  	[smem:$0x3FA9] =	sst s0;
	s0 =	simm.s32 @!p2 $0x0  }
0x16: {  	s3 =	sld [smem:$0x3FDB];
	s0 =	simm.s32 @p2 $0x1  }
0x17: {  	s4 =	simm.s32 $0x1BF5;
	[smem:$0x3FAB] =	sst s0  }
0x18: {  	s0 =	sld [smem:$0x3F8E];
	_ =	swait.ge [sflag:s4], $0x0  }
0x19: {  	s7 =	sld [smem:$0x3F8F]  }
0x1a: {  	s8 =	sadd.s32 $0xFFFFE003, lr  }
0x1b: {  	s9 =	sadd.s32 $0xFFFFFEF7, lr;
	s5 =	simm.s32 $0xFFFFFFFF;
	p2 =	slt.u32 s8, $0xFFFFF086  }
0x1c: {  	p1 =	slt.u32 s9, $0xF7A;
	s5 =	simm.s32 @!p2 $0x0  }
0x1d: {  	s5 =	simm.s32 @p1 $0x1;
	p0 =	seq.s32 s7, s2  }
0x1e: {  	s7 =	smul.u32 @!p0 $0xF7A, s2;
	p2 =	seq.s32 @!p0 s5, $0x0  }
0x1f: {  	s9 =	smul.u32 $0xF7A, s1;
	s8 =	simm.s32 @!p0 $0x1BF5;
	p2 =	por !p2, p0  }
0x20: {  	[sflag:s8] =	ssyncset.s32 @!p0 $0xFFFFF086;
	s6 =	sadd.s32 @!p0 s3, s7;
	s7 =	simm.s32 @!p0 $0x108  }
0x21: {  	s3 =	sadd.s32 s3, s9;
	s6 =	sadd.s32 @!p0 $0x88, s6;
	s7 =	simm.s32 @p2 $0x1082  }
0x22: {  	[simem:s7], [sflag:s8] =	dma.local @!p0 [hbm:s6], $0xF7A  }
0x23: {  	s9 =	sor.u32 $0xD0000000, s2;
	s6 =	simm.s32 $0x108;
	_ =	swait.ge @!p0 [sflag:s8], $0x0  }
0x24: {  	s3 =	sadd.s32 $0x88, s3;
	s6 =	simm.s32 @!p1 $0x1082;
	[sflag:s4] =	ssyncset.s32 $0xFFFFF086  }
0x25: {  	[simem:s6], [sflag:s4] =	dma.local [hbm:s3], $0xF7A  }
0x26: {  	[smem:$0x3F8F] =	sst s1;
	(tag) =	ssettag s2;
	_ =	strace s9  }
0x27: {  	s1 =	sld [smem:$0x3F9F]  }
0x28: {  	s2 =	sld [smem:$0x3FA0]  }
0x29: {  	s4 =	sld [smem:$0x3FA2]  }
0x2a: {  	p0 =	seq.s32 s5, $0x0;
	s5 =	sld [smem:$0x3FA3]  }
0x2b: {  	s6 =	sld [smem:$0x3FA4]  }
0x2c: {  	s7 =	sld [smem:$0x3FA5]  }
0x2d: {  	s3 =	simm.s32 $0x108;
	s8 =	sld [smem:$0x3FA6]  }
0x2e: {  	s3 =	simm.s32 @!p0 $0x1082;
	s9 =	sld [smem:$0x3FA7]  }
0x2f: {  	lr =	sadd.s32 s0, s3;
	s0 =	sld [smem:$0x3F9E]  }
0x30: {  	s3 =	sld [smem:$0x3FA1]  }
0x31: {  	[smem:$0x3FAA] =	sst s10  }
0x32: {  	s10 =	sld [smem:$0x3FA8];
	_ =	sdelay $0x3  }
0x33: {  	p0 =	seq.s32 s10, $0x1;
	s10 =	sld [smem:$0x3FAA];
	_ =	sdelay $0x3  }
0x34: {  	[smem:$0x3FAA] =	sst s10  }
0x35: {  	s10 =	sld [smem:$0x3FA9];
	_ =	sdelay $0x3  }
0x36: {  	p1 =	seq.s32 s10, $0x1;
	s10 =	sld [smem:$0x3FAA];
	_ =	sdelay $0x3  }
0x37: {  	[smem:$0x3FAA] =	sst s10  }
0x38: {  	s10 =	sld [smem:$0x3FAB]  }
0x39: {  	_ = 	snop;
	(pc) =	sbr.ind lr, $3  }
0x3a: {  	_ = 	snop  }
0x3b: {  	_ = 	snop  }
0x3c: {  	p2 =	seq.s32 s10, $0x1;
	s10 =	sld [smem:$0x3FAA]  }
0x3d: {  	_ =	shalt  }
0x3e: {  	_ =	shalt  }
0x3f: {  	_ =	shalt  }
0x40: {  	_ =	shalt  }
0x41: {  	_ =	shalt  }
0x42: {  	_ =	shalt  }
0x43: {  	_ =	shalt  }
0x44: {  	_ =	shalt  }
0x45: {  	_ =	shalt  }
0x46: {  	_ =	shalt  }
0x47: {  	_ =	shalt  }
0x48: {  	_ =	shalt  }
0x49: {  	_ =	shalt  }
0x4a: {  	_ =	shalt  }
0x4b: {  	_ =	shalt  }
0x4c: {  	_ =	shalt  }
0x4d: {  	_ =	shalt  }
0x4e: {  	_ =	shalt  }
0x4f: {  	_ =	shalt  }
0x50: {  	_ =	shalt  }
0x51: {  	_ =	shalt  }
0x52: {  	_ =	shalt  }
0x53: {  	_ =	shalt  }
0x54: {  	_ =	shalt  }
0x55: {  	_ =	shalt  }
0x56: {  	_ =	shalt  }
0x57: {  	_ =	shalt  }
0x58: {  	_ =	shalt  }
0x59: {  	_ =	shalt  }
0x5a: {  	_ =	shalt  }
0x5b: {  	_ =	shalt  }
0x5c: {  	_ =	shalt  }
0x5d: {  	_ =	shalt  }
0x5e: {  	_ =	shalt  }
0x5f: {  	_ =	shalt  }
0x60: {  	_ =	shalt  }
0x61: {  	_ =	shalt  }
0x62: {  	_ =	shalt  }
0x63: {  	_ =	shalt  }
0x64: {  	_ =	shalt  }
0x65: {  	_ =	shalt  }
0x66: {  	_ =	shalt  }
0x67: {  	_ =	shalt  }
0x68: {  	_ =	shalt  }
0x69: {  	_ =	shalt  }
0x6a: {  	_ =	shalt  }
0x6b: {  	_ =	shalt  }
0x6c: {  	_ =	shalt  }
0x6d: {  	_ =	shalt  }
0x6e: {  	_ =	shalt  }
0x6f: {  	_ =	shalt  }
0x70: {  	_ =	shalt  }
0x71: {  	_ =	shalt  }
0x72: {  	_ =	shalt  }
0x73: {  	_ =	shalt  }
0x74: {  	_ =	shalt  }
0x75: {  	_ =	shalt  }
0x76: {  	_ =	shalt  }
0x77: {  	_ =	shalt  }
0x78: {  	_ =	shalt  }
0x79: {  	_ =	shalt  }
0x7a: {  	_ =	shalt  }
0x7b: {  	_ =	shalt  }
0x7c: {  	_ =	shalt  }
0x7d: {  	_ =	shalt  }
0x7e: {  	_ =	shalt  }
0x7f: {  	_ =	shalt  }
0x80: {  	_ =	shalt  }
0x81: {  	_ =	shalt  }
0x82: {  	_ =	shalt  }
0x83: {  	_ =	shalt  }
0x84: {  	_ =	shalt  }
0x85: {  	_ =	shalt  }
0x86: {  	_ =	shalt  }
0x87: {  	_ =	shalt  }
.Lfunc_end0:
.L_simem_size_0:
called_computation.1_lowered:
.L_overlay_start_0:
0x88: {  	s2 =	sld [smem:$0x3FD9]  }
0x89: {  	s3 =	sld [smem:$0x3FFE];
	_ =	sdelay $0x1  }
0x8a: {  	s1 =	srdreg.scid  }
0x8b: {  	s0 =	sand.u32 $0x1, s1  }
0x8c: {  	s14 =	sshll.u32 s0, $0xA;
	s2 =	sadd.s32 s3, s2  }
0x8d: {  	s2 =	sadd.s32 s2, s14  }
0x8e: {  	[smem:$0x3FB6] =	sst s2  }
0x8f: {  	_ = 	snop  }
0x90: {  	s2 =	sld [smem:$0x3FD0];
	_ =	sdelay $0x2  }
0x91: {  	s15 =	simm.s32 $0xA;
	s4 =	simm.s32 $0x10  }
0x92: {  	[smem:s4], [sflag:s15] =	dma.local [hbm:s2], $0x1  }
0x93: {  	_ =	swait.eq [sflag:s15], $0x1  }
0x94: {  	[sflag:s15] =	ssyncset.done $0x0  }
0x95: {  	s16 =	sld [smem:$0x10];
	[sflag:s15] =	ssyncadd.s32 $0xFFFFFFFF  }
0x96: {  	s17 =	sld [smem:$0x11];
	(tm) =	ssettm $0x1  }
0x97: {  	s18 =	sld [smem:$0x3FFB];
	_ =	sdelay $0x3  }
0x98: {  	_ =	strace s18  }
0x99: {  	s4 =	sld [smem:$0x3FFC];
	_ =	sdelay $0x3  }
0x9a: {  	_ =	strace s4  }
0x9b: {  	s4 =	sld [smem:$0x3FFD];
	_ =	sdelay $0x3  }
0x9c: {  	_ =	strace s4  }
0x9d: {  	_ =	strace $0x8FFFFFFF  }
0x9e: {  	s19 =	sld [smem:$0x3FDB];
	_ =	sdelay $0x1  }
0x9f: {  	s5 =	simm.s32 $_scs_section_size  }
0xa0: {  	s6 =	simm.s32 $_size__tile_overlayer_lowered;
	s7 =	simm.s32 $_tile_overlayer_lowered  }
0xa1: {  	s22 =	simm.s32 $0x1BFF;
	s21 =	sshll.u32 s7, $0x1;
	s4 =	sadd.s32 s5, s19  }
0xa2: {  	s8 =	simm.s32 $0x0;
	s20 =	sshll.u32 s6, $0x1;
	s6 =	sadd.s32 s21, s4  }
0xa3: {  	[timem:s8], [sflag:s22] =	dma.local [hbm:s6], s20  }
0xa4: {  	_ =	swait.ge [sflag:s22], s20  }
0xa5: {  	s5 =	ssub.s32 $0x0, s20;
	[sflag:s22] =	ssyncset.done $0x0  }
0xa6: {  	[sflag:s22] =	ssyncadd.s32 s5;
	_ =	sdelay $0x1  }
0xa7: {  	s23 =	simm.s32 $0x1B8B  }
0xa8: {  	_ =	swait.ge [sflag:s23], $0x1  }
0xa9: {  	[sflag:s23] =	ssyncset.done $0x0  }
0xaa: {  	s25 =	simm.s32 $0x1B8E;
	s24 =	sld [smem:$0x3FFE];
	[sflag:s23] =	ssyncadd.s32 $0xFFFFFFFF  }
0xab: {  	s26 =	simm.s32 $execute0_lowered;
	[smem:$0x3FD2] =	sst s25  }
0xac: {  	s6 =	sshll.u32 s26, $0x1;
	_ =	strace $0x80000049;
	[dreg:$0x1] =	wrdreg $0xFFFFFFFF  }
0xad: {  	s28 =	simm.s32 $_size_execute0_lowered;
	s4 =	sadd.s32 s4, s6;
	[dreg:$0x0] =	wrdreg $0x0  }
0xae: {  	s6 =	sshll.u32 s28, $0x1;
	[dreg:$0x2] =	wrdreg s4  }
0xaf: {  	[dreg:$0x3] =	wrdreg s6  }
0xb0: {  	[dreg:$0x4] =	wrdreg $0xC0  }
0xb1: {  	_ =	task [dreg:s8], $0x5FFFF  }
0xb2: {  	[dreg:$0x1] =	wrdreg $0xFFFFFFFF  }
0xb3: {  	[dreg:$0x0] =	wrdreg $0x60  }
0xb4: {  	[dreg:$0x2] =	wrdreg s17  }
0xb5: {  	[dreg:$0x3] =	wrdreg s16  }
0xb6: {  	[dreg:$0x4] =	wrdreg s24  }
0xb7: {  	[dreg:$0x5] =	wrdreg $0x9  }
0xb8: {  	_ =	task.clear_ibuf [dreg:s8], $0x6FFFF;
	_ =	strace $0x90000049  }
0xb9: {  	s29 =	simm.s32 $0x9;
	_ =	strace $0x8000004B  }
0xba: {  	_ =	swait.ge [sflag:s29], $0x1  }
0xbb: {  	[sflag:s29] =	ssyncadd.s32 $0xFFFFFFFF  }
0xbc: {  	_ =	strace $0x9000004B  }
0xbd: {  	_ =	sfence  }
0xbe: {  	s30 =	sld [smem:$0x0];
	_ =	sdelay $0x2  }
0xbf: {  	s31 =	sshll.u32 s1, $0xD;
	s1 =	sshrl.u32 s1, $0x2  }
0xc0: {  	s3 =	sand.u32 $0x4000, s31;
	s1 =	sadd.s32 s1, s30  }
0xc1: {  	s0 =	sor.u32 s3, s0;
	s1 =	sshll.u32 s1, $0x11  }
0xc2: {  	s0 =	sor.u32 s1, s0  }
0xc3: {  	s0 =	sadd.s32 $0x8F2B, s0  }
0xc4: {  	[sflag:s0] =	ssyncadd.remote.s32 $0x1  }
0xc5: {  	_ =	sfence.sel $0xFFFF  }
0xc6: {  	[dreg:$0x0] =	wrdreg $0xFFFFFFFF;
	(pc) =	sbr.abs _section_cstart, $3  }
0xc7: {  	[dreg:$0x1] =	wrdreg $0xFFFFFFFF  }
0xc8: {  	_ =	task.clear_ibuf [dreg:s8], $0x2FFFF;
	_ =	strace $0x9FFFFFFF  }
0xc9: {  	(tm) =	ssettm $0x7FFFFFFF  }
tec
execute0_lowered:
.L_overlay_start_1:
0x0: {  	(tag) =	ssettag $0x1  }
0x1: {  	s1 =	rddreg [dreg:$0x0]  }
0x2: {  	s3 =	rddreg [dreg:$0x1]  }
0x3: {  	s5 =	rddreg [dreg:$0x2]  }
0x4: {  	s0 =	rddreg [dreg:$0x3]  }
0x5: {  	s6 =	srdreg.scid;
	s2 =	stileid.u32;
	s4 =	simm.s32 $0x0  }
0x6: {  	s12 =	simm.s32 $0x100;
	s13 =	simm.s32 $0x4100;
	s7 =	smul.u32 $0x1400, s2  }
0x7: {  	s14 =	simm.s32 $0x1;
	s6 =	sand.u32 $0x1, s6;
	s9 =	smul.u32 $0x14000, s2  }
0x8: {  	s15 =	simm.s32 $0x2;
	s16 =	simm.s32 $0x0;
	s8 =	smul.u32 $0xA00, s6  }
0x9: {  	[smem:$0x7FF] =	sst s4;
	s29 =	ssub.s32 $0x2, s6;
	s6 =	smul.u32 $0xA000, s6  }
0xa: {  	_ =	strace $0x8000004A;
	s9 =	sadd.s32 s9, s5;
	s10 =	sshrl.u32 s29, $0x1  }
0xb: {  	s7 =	sadd.s32 s8, s7;
	s30 =	ssub.s32 s29, s10;
	s31 =	sadd.s32 s6, s9  }
0xc: {  	s10 =	simm.s32 $0x3;
	s7 =	sshrl.u32 s7, $0x3;
	s6 =	sadd.s32 $0x6800, s31  }
0xd: {  	s11 =	sadd.s32 s7, s5;
	s5 =	smax.u32 s30, $0x1;
	s7 =	sadd.s32 $0x146800, s31  }
0xe: {  	s8 =	sadd.s32 $0x511800, s11;
	s9 =	sadd.s32 $0x514000, s11;
	s11 =	simm.s32 $0x80  }
.LBB2_1:
0xf: {  	s17 =	sadd.s32 $0x0, s9  }
0x10: {  	[tilespmem:s4], [sflag:$0x3] =	stream.linear.gather [hbm4b:s17+s4], $0x80, $0x38;
	[tilespmem:$0x8100] =	vst v63  }
0x11: {  	_ =	swait.ge [sflag:s10], $0x80  }
0x12: {  	[sflag:s10] =	ssyncset.done $0x0  }
0x13: {  	s31 =	sadd.s32 $0x0, s8;
	[sflag:s10] =	ssyncadd.s32 $0xFFFFFF80  }
0x14: {  	[tilespmem:s11], [sflag:$0x3] =	stream.linear.gather [hbm4b:s31+s4], $0x80, $0x38;
	[tilespmem:$0x8100] =	vst v63  }
0x15: {  	_ =	swait.ge [sflag:s10], $0x80  }
0x16: {  	[sflag:s10] =	ssyncset.done $0x0  }
0x17: {  	[sflag:s10] =	ssyncadd.s32 $0xFFFFFF80  }
0x18: {  	[tilespmem:s12], [sflag:$0x1] =	stream.indirect.gather [hbm4b:s1+s11], $0x80, s4, s11, $0xb8;
	[tilespmem:$0x8100] =	vst v63  }
0x19: {  	_ = 	snop  }
0x1a: {  	[tilespmem:s13], [sflag:$0x2] =	stream.indirect.gather [hbm4b:s3+s11], $0x80, s11, s11, $0xb8;
	[tilespmem:$0x8100] =	vst v63  }
0x1b: {  	_ =	swait.ge [sflag:s14], $0x4000  }
0x1c: {  	[sflag:s14] =	ssyncset.done $0x0  }
0x1d: {  	[sflag:s14] =	ssyncadd.s32 $0xFFFFC000  }
0x1e: {  	_ =	swait.ge [sflag:s15], $0x4000  }
0x1f: {  	[sflag:s15] =	ssyncset.done $0x0  }
0x20: {  	[sflag:s15] =	ssyncadd.s32 $0xFFFFC000  }
0x21: {  	[hbm4b:s6+s4] =	stream.linear.scatter [tilespmem:s12], [sflag:$0x3], $0x4000, $0x38;
	[tilespmem:$0x8100] =	vst v63  }
0x22: {  	_ =	swait.ge [sflag:s10], $0x4000  }
0x23: {  	[sflag:s10] =	ssyncset.done $0x0  }
0x24: {  	[sflag:s10] =	ssyncadd.s32 $0xFFFFC000  }
0x25: {  	[hbm4b:s7+s4] =	stream.linear.scatter [tilespmem:s13], [sflag:$0x3], $0x4000, $0x38;
	[tilespmem:$0x8100] =	vst v63  }
0x26: {  	s19 =	simm.s32 $0x10;
	s20 =	simm.s32 $0x20;
	_ =	swait.ge [sflag:s10], $0x4000  }
0x27: {  	s18 =	sadd.s32 $0x800, s6;
	s17 =	sadd.s32 $0x800, s7;
	[sflag:s10] =	ssyncset.done $0x0  }
.LBB2_2:
0x28: {  	s21 =	sadd.s32 s19, s9  }
0x29: {  	[sflag:s10] =	ssyncadd.s32 $0xFFFFC000;
	s22 =	smov.u32 s20;
	s23 =	sadd.s32 $0x10, s20  }
0x2a: {  	[tilespmem:s4], [sflag:$0x3] =	stream.linear.gather [hbm4b:s21+s4], $0x80, $0x38;
	[tilespmem:$0x8100] =	vst v63  }
0x2b: {  	p0 =	sne.s32 s20, $0x130;
	_ =	swait.ge [sflag:s10], $0x80  }
0x2c: {  	[sflag:s10] =	ssyncset.done $0x0  }
0x2d: {  	s20 =	sadd.s32 s19, s8;
	s19 =	smov.u32 s22;
	[sflag:s10] =	ssyncadd.s32 $0xFFFFFF80  }
0x2e: {  	[tilespmem:s11], [sflag:$0x3] =	stream.linear.gather [hbm4b:s20+s4], $0x80, $0x38;
	[tilespmem:$0x8100] =	vst v63  }
0x2f: {  	_ =	swait.ge [sflag:s10], $0x80  }
0x30: {  	[sflag:s10] =	ssyncset.done $0x0  }
0x31: {  	[sflag:s10] =	ssyncadd.s32 $0xFFFFFF80  }
0x32: {  	[tilespmem:s12], [sflag:$0x1] =	stream.indirect.gather [hbm4b:s1+s11], $0x80, s4, s11, $0xb8;
	[tilespmem:$0x8100] =	vst v63  }
0x33: {  	_ = 	snop  }
0x34: {  	[tilespmem:s13], [sflag:$0x2] =	stream.indirect.gather [hbm4b:s3+s11], $0x80, s11, s11, $0xb8;
	[tilespmem:$0x8100] =	vst v63  }
0x35: {  	_ =	swait.ge [sflag:s14], $0x4000  }
0x36: {  	[sflag:s14] =	ssyncset.done $0x0  }
0x37: {  	[sflag:s14] =	ssyncadd.s32 $0xFFFFC000  }
0x38: {  	_ =	swait.ge [sflag:s15], $0x4000  }
0x39: {  	[sflag:s15] =	ssyncset.done $0x0  }
0x3a: {  	[sflag:s15] =	ssyncadd.s32 $0xFFFFC000  }
0x3b: {  	[hbm4b:s18+s4] =	stream.linear.scatter [tilespmem:s12], [sflag:$0x3], $0x4000, $0x38;
	[tilespmem:$0x8100] =	vst v63  }
0x3c: {  	_ =	swait.ge [sflag:s10], $0x4000  }
.Ltmp0:
0x3d: {  	[sflag:s10] =	ssyncset.done $0x0;
	(pc) =	sbr.rel @p0 .LBB2_2-.Ltmp0, $4  }
0x3e: {  	[sflag:s10] =	ssyncadd.s32 $0xFFFFC000  }
0x3f: {  	[hbm4b:s17+s4] =	stream.linear.scatter [tilespmem:s13], [sflag:$0x3], $0x4000, $0x38;
	[tilespmem:$0x8100] =	vst v63  }
0x40: {  	s20 =	smov.u32 s23;
	_ =	swait.ge [sflag:s10], $0x4000  }
0x41: {  	s18 =	sadd.s32 $0x800, s18;
	s17 =	sadd.s32 $0x800, s17;
	[sflag:s10] =	ssyncset.done $0x0  }
0x42: {  	s20 =	sadd.s32 s19, s9;
	[sflag:s10] =	ssyncadd.s32 $0xFFFFC000  }
0x43: {  	[tilespmem:s4], [sflag:$0x3] =	stream.linear.gather [hbm4b:s20+s4], $0x80, $0x38;
	[tilespmem:$0x8100] =	vst v63  }
0x44: {  	_ =	swait.ge [sflag:s10], $0x80  }
0x45: {  	[sflag:s10] =	ssyncset.done $0x0  }
0x46: {  	s31 =	sadd.s32 s19, s8;
	[sflag:s10] =	ssyncadd.s32 $0xFFFFFF80  }
0x47: {  	[tilespmem:s11], [sflag:$0x3] =	stream.linear.gather [hbm4b:s31+s4], $0x80, $0x38;
	[tilespmem:$0x8100] =	vst v63  }
0x48: {  	_ =	swait.ge [sflag:s10], $0x80  }
0x49: {  	[sflag:s10] =	ssyncset.done $0x0  }
0x4a: {  	[sflag:s10] =	ssyncadd.s32 $0xFFFFFF80  }
0x4b: {  	[tilespmem:s12], [sflag:$0x1] =	stream.indirect.gather [hbm4b:s1+s11], $0x80, s4, s11, $0xb8;
	[tilespmem:$0x8100] =	vst v63  }
0x4c: {  	_ = 	snop  }
0x4d: {  	[tilespmem:s13], [sflag:$0x2] =	stream.indirect.gather [hbm4b:s3+s11], $0x80, s11, s11, $0xb8;
	[tilespmem:$0x8100] =	vst v63  }
0x4e: {  	_ =	swait.ge [sflag:s14], $0x4000  }
0x4f: {  	[sflag:s14] =	ssyncset.done $0x0  }
0x50: {  	[sflag:s14] =	ssyncadd.s32 $0xFFFFC000  }
0x51: {  	_ =	swait.ge [sflag:s15], $0x4000  }
0x52: {  	[sflag:s15] =	ssyncset.done $0x0  }
0x53: {  	[sflag:s15] =	ssyncadd.s32 $0xFFFFC000  }
0x54: {  	[hbm4b:s18+s4] =	stream.linear.scatter [tilespmem:s12], [sflag:$0x3], $0x4000, $0x38;
	[tilespmem:$0x8100] =	vst v63  }
0x55: {  	s16 =	sadd.s32 $0x1, s16;
	_ =	swait.ge [sflag:s10], $0x4000  }
0x56: {  	p0 =	sne.s32 s16, s5;
	[sflag:s10] =	ssyncset.done $0x0  }
.Ltmp1:
0x57: {  	[sflag:s10] =	ssyncadd.s32 $0xFFFFC000;
	(pc) =	sbr.rel @p0 .LBB2_1-.Ltmp1, $4  }
0x58: {  	[hbm4b:s17+s4] =	stream.linear.scatter [tilespmem:s13], [sflag:$0x3], $0x4000, $0x38;
	[tilespmem:$0x8100] =	vst v63  }
0x59: {  	_ =	swait.ge [sflag:s10], $0x4000  }
0x5a: {  	[sflag:s10] =	ssyncset.done $0x0  }
0x5b: {  	[sflag:s10] =	ssyncadd.s32 $0xFFFFC000  }
0x5c: {  	_ =	sfence.sel $0x180000  }
0x5d: {  	[bflag:$0x0] =	sbarrier.arrive $0xFFFF  }
0x5e: {  	p0 =	sne.s32 s2, $0x0;
	_ =	strace $0x9000004A  }
0x5f: {  	s0 =	sadd.s32 @!p0 $0x100000, s0;
	[bflag:$0x2] =	sbarrier.arrive $0xFFFF  }
0x60: {  	[sflag:s0] =	ssyncadd.tile.s32 @!p0 $0x1;
	_ =	shalt  }
.Lfunc_end2:
_tile_overlayer_lowered:
.L_overlay_start_2:
0x61: {  	(tag) =	ssettag $0x2  }
0x62: {  	s0 =	rddreg [dreg:$0x0];
	s2 =	stileid.u32  }
0x63: {  	s1 =	rddreg [dreg:$0x1];
	p0 =	sne.s32 s2, $0x0  }
0x64: {  	s3 =	rddreg [dreg:$0x2];
	[bflag:$0x3] =	sbarrier.arrive $0xFFFF;
	s2 =	simm.s32 @!p0 $0x1C03  }
0x65: {  	[timem:s3], [sflag:s2] =	dma.local @!p0 [hbm:s0], s1  }
0x66: {  	s0 =	simm.s32 @!p0 $0x3  }
0x67: {  	_ =	swait.ge @!p0 [sflag:s0], s1  }
0x68: {  	s1 =	ssub.s32 @!p0 $0x0, s1;
	[sflag:s0] =	ssyncset.done @!p0 $0x0  }
0x69: {  	[sflag:s0] =	ssyncadd.s32 @!p0 s1  }
0x6a: {  	[bflag:$0x3] =	sbarrier.arrive $0xFFFF  }
0x6b: {  	_ =	shalt  }

// kernel: kernel.23.cloned.1.call-start
scs
__scs_entry_jumppad:
0x0: {  	(pc) =	sbr.rel $0x88, $3  }
0x1: {  	(tag) =	ssettag $0x0;
	lr =	simm.s32 $0x1  }
0x2: {  	[smem:$0x3F8F] =	sst lr;
	_ =	strace $0xD0000000  }
0x3: {  	_ = 	snop  }
0x4: {  	_ = 	snop  }
0x5: {  	_ = 	snop  }
0x6: {  	_ = 	snop  }
0x7: {  	_ = 	snop  }
__scs_overlays_trampoline_lowered:
0x8: {  	[smem:$0x3F9E] =	sst s0  }
0x9: {  	[smem:$0x3F9F] =	sst s1  }
0xa: {  	[smem:$0x3FA0] =	sst s2  }
0xb: {  	[smem:$0x3FA1] =	sst s3  }
0xc: {  	[smem:$0x3FA2] =	sst s4  }
0xd: {  	[smem:$0x3FA3] =	sst s5  }
0xe: {  	[smem:$0x3FA4] =	sst s6  }
0xf: {  	[smem:$0x3FA5] =	sst s7  }
0x10: {  	[smem:$0x3FA6] =	sst s8  }
0x11: {  	[smem:$0x3FA7] =	sst s9;
	s0 =	simm.s32 @!p0 $0x0  }
0x12: {  	s1 =	sld [smem:$0x3F8D];
	s0 =	simm.s32 @p0 $0x1  }
0x13: {  	[smem:$0x3FA8] =	sst s0;
	s0 =	simm.s32 @!p1 $0x0  }
0x14: {  	s2 =	sld [smem:$0x3F8C];
	s0 =	simm.s32 @p1 $0x1  }
0x15: {  	[smem:$0x3FA9] =	sst s0;
	s0 =	simm.s32 @!p2 $0x0  }
0x16: {  	s3 =	sld [smem:$0x3FDB];
	s0 =	simm.s32 @p2 $0x1  }
0x17: {  	s4 =	simm.s32 $0x1BF5;
	[smem:$0x3FAB] =	sst s0  }
0x18: {  	s0 =	sld [smem:$0x3F8E];
	_ =	swait.ge [sflag:s4], $0x0  }
0x19: {  	s7 =	sld [smem:$0x3F8F]  }
0x1a: {  	s8 =	sadd.s32 $0xFFFFE003, lr  }
0x1b: {  	s9 =	sadd.s32 $0xFFFFFEF7, lr;
	s5 =	simm.s32 $0xFFFFFFFF;
	p2 =	slt.u32 s8, $0xFFFFF086  }
0x1c: {  	p1 =	slt.u32 s9, $0xF7A;
	s5 =	simm.s32 @!p2 $0x0  }
0x1d: {  	s5 =	simm.s32 @p1 $0x1;
	p0 =	seq.s32 s7, s2  }
0x1e: {  	s7 =	smul.u32 @!p0 $0xF7A, s2;
	p2 =	seq.s32 @!p0 s5, $0x0  }
0x1f: {  	s9 =	smul.u32 $0xF7A, s1;
	s8 =	simm.s32 @!p0 $0x1BF5;
	p2 =	por !p2, p0  }
0x20: {  	[sflag:s8] =	ssyncset.s32 @!p0 $0xFFFFF086;
	s6 =	sadd.s32 @!p0 s3, s7;
	s7 =	simm.s32 @!p0 $0x108  }
0x21: {  	s3 =	sadd.s32 s3, s9;
	s6 =	sadd.s32 @!p0 $0x88, s6;
	s7 =	simm.s32 @p2 $0x1082  }
0x22: {  	[simem:s7], [sflag:s8] =	dma.local @!p0 [hbm:s6], $0xF7A  }
0x23: {  	s9 =	sor.u32 $0xD0000000, s2;
	s6 =	simm.s32 $0x108;
	_ =	swait.ge @!p0 [sflag:s8], $0x0  }
0x24: {  	s3 =	sadd.s32 $0x88, s3;
	s6 =	simm.s32 @!p1 $0x1082;
	[sflag:s4] =	ssyncset.s32 $0xFFFFF086  }
0x25: {  	[simem:s6], [sflag:s4] =	dma.local [hbm:s3], $0xF7A  }
0x26: {  	[smem:$0x3F8F] =	sst s1;
	(tag) =	ssettag s2;
	_ =	strace s9  }
0x27: {  	s1 =	sld [smem:$0x3F9F]  }
0x28: {  	s2 =	sld [smem:$0x3FA0]  }
0x29: {  	s4 =	sld [smem:$0x3FA2]  }
0x2a: {  	p0 =	seq.s32 s5, $0x0;
	s5 =	sld [smem:$0x3FA3]  }
0x2b: {  	s6 =	sld [smem:$0x3FA4]  }
0x2c: {  	s7 =	sld [smem:$0x3FA5]  }
0x2d: {  	s3 =	simm.s32 $0x108;
	s8 =	sld [smem:$0x3FA6]  }
0x2e: {  	s3 =	simm.s32 @!p0 $0x1082;
	s9 =	sld [smem:$0x3FA7]  }
0x2f: {  	lr =	sadd.s32 s0, s3;
	s0 =	sld [smem:$0x3F9E]  }
0x30: {  	s3 =	sld [smem:$0x3FA1]  }
0x31: {  	[smem:$0x3FAA] =	sst s10  }
0x32: {  	s10 =	sld [smem:$0x3FA8];
	_ =	sdelay $0x3  }
0x33: {  	p0 =	seq.s32 s10, $0x1;
	s10 =	sld [smem:$0x3FAA];
	_ =	sdelay $0x3  }
0x34: {  	[smem:$0x3FAA] =	sst s10  }
0x35: {  	s10 =	sld [smem:$0x3FA9];
	_ =	sdelay $0x3  }
0x36: {  	p1 =	seq.s32 s10, $0x1;
	s10 =	sld [smem:$0x3FAA];
	_ =	sdelay $0x3  }
0x37: {  	[smem:$0x3FAA] =	sst s10  }
0x38: {  	s10 =	sld [smem:$0x3FAB]  }
0x39: {  	_ = 	snop;
	(pc) =	sbr.ind lr, $3  }
0x3a: {  	_ = 	snop  }
0x3b: {  	_ = 	snop  }
0x3c: {  	p2 =	seq.s32 s10, $0x1;
	s10 =	sld [smem:$0x3FAA]  }
0x3d: {  	_ =	shalt  }
0x3e: {  	_ =	shalt  }
0x3f: {  	_ =	shalt  }
0x40: {  	_ =	shalt  }
0x41: {  	_ =	shalt  }
0x42: {  	_ =	shalt  }
0x43: {  	_ =	shalt  }
0x44: {  	_ =	shalt  }
0x45: {  	_ =	shalt  }
0x46: {  	_ =	shalt  }
0x47: {  	_ =	shalt  }
0x48: {  	_ =	shalt  }
0x49: {  	_ =	shalt  }
0x4a: {  	_ =	shalt  }
0x4b: {  	_ =	shalt  }
0x4c: {  	_ =	shalt  }
0x4d: {  	_ =	shalt  }
0x4e: {  	_ =	shalt  }
0x4f: {  	_ =	shalt  }
0x50: {  	_ =	shalt  }
0x51: {  	_ =	shalt  }
0x52: {  	_ =	shalt  }
0x53: {  	_ =	shalt  }
0x54: {  	_ =	shalt  }
0x55: {  	_ =	shalt  }
0x56: {  	_ =	shalt  }
0x57: {  	_ =	shalt  }
0x58: {  	_ =	shalt  }
0x59: {  	_ =	shalt  }
0x5a: {  	_ =	shalt  }
0x5b: {  	_ =	shalt  }
0x5c: {  	_ =	shalt  }
0x5d: {  	_ =	shalt  }
0x5e: {  	_ =	shalt  }
0x5f: {  	_ =	shalt  }
0x60: {  	_ =	shalt  }
0x61: {  	_ =	shalt  }
0x62: {  	_ =	shalt  }
0x63: {  	_ =	shalt  }
0x64: {  	_ =	shalt  }
0x65: {  	_ =	shalt  }
0x66: {  	_ =	shalt  }
0x67: {  	_ =	shalt  }
0x68: {  	_ =	shalt  }
0x69: {  	_ =	shalt  }
0x6a: {  	_ =	shalt  }
0x6b: {  	_ =	shalt  }
0x6c: {  	_ =	shalt  }
0x6d: {  	_ =	shalt  }
0x6e: {  	_ =	shalt  }
0x6f: {  	_ =	shalt  }
0x70: {  	_ =	shalt  }
0x71: {  	_ =	shalt  }
0x72: {  	_ =	shalt  }
0x73: {  	_ =	shalt  }
0x74: {  	_ =	shalt  }
0x75: {  	_ =	shalt  }
0x76: {  	_ =	shalt  }
0x77: {  	_ =	shalt  }
0x78: {  	_ =	shalt  }
0x79: {  	_ =	shalt  }
0x7a: {  	_ =	shalt  }
0x7b: {  	_ =	shalt  }
0x7c: {  	_ =	shalt  }
0x7d: {  	_ =	shalt  }
0x7e: {  	_ =	shalt  }
0x7f: {  	_ =	shalt  }
0x80: {  	_ =	shalt  }
0x81: {  	_ =	shalt  }
0x82: {  	_ =	shalt  }
0x83: {  	_ =	shalt  }
0x84: {  	_ =	shalt  }
0x85: {  	_ =	shalt  }
0x86: {  	_ =	shalt  }
0x87: {  	_ =	shalt  }
.Lfunc_end0:
.L_simem_size_0:
called_computation.2_lowered:
.L_overlay_start_0:
0x88: {  	s2 =	sld [smem:$0x3FD9]  }
0x89: {  	s3 =	sld [smem:$0x3FFE];
	_ =	sdelay $0x1  }
0x8a: {  	s1 =	srdreg.scid  }
0x8b: {  	s0 =	sand.u32 $0x1, s1  }
0x8c: {  	s14 =	sshll.u32 s0, $0xA;
	s2 =	sadd.s32 s3, s2  }
0x8d: {  	s2 =	sadd.s32 s2, s14  }
0x8e: {  	[smem:$0x3FB6] =	sst s2  }
0x8f: {  	_ = 	snop  }
0x90: {  	s2 =	sld [smem:$0x3FD0];
	_ =	sdelay $0x2  }
0x91: {  	s15 =	simm.s32 $0xA;
	s4 =	simm.s32 $0x10  }
0x92: {  	[smem:s4], [sflag:s15] =	dma.local [hbm:s2], $0x1  }
0x93: {  	_ =	swait.eq [sflag:s15], $0x1  }
0x94: {  	[sflag:s15] =	ssyncset.done $0x0  }
0x95: {  	[sflag:s15] =	ssyncadd.s32 $0xFFFFFFFF  }
0x96: {  	s16 =	sld [smem:$0x11];
	(tm) =	ssettm $0x1  }
0x97: {  	s17 =	sld [smem:$0x3FFB];
	_ =	sdelay $0x3  }
0x98: {  	_ =	strace s17  }
0x99: {  	s3 =	sld [smem:$0x3FFC];
	_ =	sdelay $0x3  }
0x9a: {  	_ =	strace s3  }
0x9b: {  	s3 =	sld [smem:$0x3FFD];
	_ =	sdelay $0x3  }
0x9c: {  	_ =	strace s3  }
0x9d: {  	_ =	strace $0x8FFFFFFF  }
0x9e: {  	s18 =	sld [smem:$0x3FDB];
	_ =	sdelay $0x1  }
0x9f: {  	s19 =	simm.s32 $_scs_section_size  }
0xa0: {  	s5 =	simm.s32 $_size__tile_overlayer_lowered;
	s6 =	simm.s32 $_tile_overlayer_lowered  }
0xa1: {  	s22 =	simm.s32 $0x1BFF;
	s21 =	sshll.u32 s6, $0x1;
	s3 =	sadd.s32 s19, s18  }
0xa2: {  	s7 =	simm.s32 $0x0;
	s20 =	sshll.u32 s5, $0x1;
	s5 =	sadd.s32 s21, s3  }
0xa3: {  	[timem:s7], [sflag:s22] =	dma.local [hbm:s5], s20  }
0xa4: {  	_ =	swait.ge [sflag:s22], s20  }
0xa5: {  	s4 =	ssub.s32 $0x0, s20;
	[sflag:s22] =	ssyncset.done $0x0  }
0xa6: {  	[sflag:s22] =	ssyncadd.s32 s4;
	_ =	sdelay $0x1  }
0xa7: {  	s23 =	simm.s32 $0x1B8B  }
0xa8: {  	_ =	swait.ge [sflag:s23], $0x1  }
0xa9: {  	[sflag:s23] =	ssyncset.done $0x0  }
0xaa: {  	s25 =	simm.s32 $0x1B8E;
	s24 =	sld [smem:$0x3FFE];
	[sflag:s23] =	ssyncadd.s32 $0xFFFFFFFF  }
0xab: {  	s26 =	simm.s32 $execute0_lowered;
	[smem:$0x3FD2] =	sst s25  }
0xac: {  	s5 =	sshll.u32 s26, $0x1;
	_ =	strace $0x8000004C;
	[dreg:$0x1] =	wrdreg $0xFFFFFFFF  }
0xad: {  	s28 =	simm.s32 $_size_execute0_lowered;
	s3 =	sadd.s32 s3, s5;
	[dreg:$0x0] =	wrdreg $0x0  }
0xae: {  	s5 =	sshll.u32 s28, $0x1;
	[dreg:$0x2] =	wrdreg s3  }
0xaf: {  	[dreg:$0x3] =	wrdreg s5  }
0xb0: {  	[dreg:$0x4] =	wrdreg $0xC0  }
0xb1: {  	_ =	task [dreg:s7], $0x5FFFF  }
0xb2: {  	[dreg:$0x1] =	wrdreg $0xFFFFFFFF  }
0xb3: {  	[dreg:$0x0] =	wrdreg $0x60  }
0xb4: {  	[dreg:$0x2] =	wrdreg s16  }
0xb5: {  	[dreg:$0x3] =	wrdreg s24  }
0xb6: {  	[dreg:$0x4] =	wrdreg $0x9  }
0xb7: {  	_ =	task.clear_ibuf [dreg:s7], $0x5FFFF;
	_ =	strace $0x9000004C  }
0xb8: {  	s29 =	simm.s32 $0x9;
	_ =	strace $0x8000004E  }
0xb9: {  	_ =	swait.ge [sflag:s29], $0x1  }
0xba: {  	[sflag:s29] =	ssyncadd.s32 $0xFFFFFFFF  }
0xbb: {  	_ =	strace $0x9000004E  }
0xbc: {  	_ =	sfence  }
0xbd: {  	s30 =	sld [smem:$0x0];
	_ =	sdelay $0x2  }
0xbe: {  	s31 =	sshll.u32 s1, $0xD;
	s1 =	sshrl.u32 s1, $0x2  }
0xbf: {  	s3 =	sand.u32 $0x4000, s31;
	s1 =	sadd.s32 s1, s30  }
0xc0: {  	s0 =	sor.u32 s3, s0;
	s1 =	sshll.u32 s1, $0x11  }
0xc1: {  	s0 =	sor.u32 s1, s0  }
0xc2: {  	s0 =	sadd.s32 $0x8F2B, s0  }
0xc3: {  	[sflag:s0] =	ssyncadd.remote.s32 $0x1  }
0xc4: {  	_ =	sfence.sel $0xFFFF  }
0xc5: {  	[dreg:$0x0] =	wrdreg $0xFFFFFFFF;
	(pc) =	sbr.abs _section_cstart, $3  }
0xc6: {  	[dreg:$0x1] =	wrdreg $0xFFFFFFFF  }
0xc7: {  	_ =	task.clear_ibuf [dreg:s7], $0x2FFFF;
	_ =	strace $0x9FFFFFFF  }
0xc8: {  	(tm) =	ssettm $0x7FFFFFFF  }
0xc9: {  	_ =	shalt  }
tec
execute0_lowered:
.L_overlay_start_1:
0x0: {  	(tag) =	ssettag $0x1  }
0x1: {  	s2 =	rddreg [dreg:$0x0]  }
0x2: {  	s5 =	rddreg [dreg:$0x1]  }
0x3: {  	s0 =	rddreg [dreg:$0x2];
	s4 =	srdreg.scid  }
0x4: {  	s1 =	stileid.u32;
	s3 =	simm.s32 $0x0;
	s12 =	simm.s32 $0x100  }
0x5: {  	s13 =	simm.s32 $0x4100;
	s14 =	simm.s32 $0x1;
	s7 =	smul.u32 $0x1400, s1  }
0x6: {  	s15 =	simm.s32 $0x2;
	s6 =	sand.u32 $0x1, s4;
	s9 =	smul.u32 $0x14000, s1  }
0x7: {  	s16 =	simm.s32 $0x0;
	[smem:$0x7FF] =	sst s3;
	s8 =	smul.u32 $0xA00, s6  }
0x8: {  	s4 =	sadd.s32 $0x6800, s5;
	s29 =	ssub.s32 $0x2, s6;
	s6 =	smul.u32 $0xA000, s6  }
0x9: {  	_ =	strace $0x8000004D;
	s9 =	sadd.s32 s9, s5;
	s10 =	sshrl.u32 s29, $0x1  }
0xa: {  	s7 =	sadd.s32 s8, s7;
	s30 =	ssub.s32 s29, s10;
	s31 =	sadd.s32 s6, s9  }
0xb: {  	s10 =	simm.s32 $0x3;
	s7 =	sshrl.u32 s7, $0x3;
	s6 =	sadd.s32 $0x2DA00, s31  }
0xc: {  	s11 =	sadd.s32 s7, s5;
	s5 =	smax.u32 s30, $0x1;
	s7 =	sadd.s32 $0x28B800, s31  }
0xd: {  	s8 =	sadd.s32 $0x286800, s11;
	s9 =	sadd.s32 $0x289000, s11;
	s11 =	simm.s32 $0x80  }
.LBB2_1:
0xe: {  	s17 =	sadd.s32 $0x0, s9  }
0xf: {  	[tilespmem:s3], [sflag:$0x3] =	stream.linear.gather [hbm4b:s17+s3], $0x80, $0x38;
	[tilespmem:$0x8100] =	vst v63  }
0x10: {  	_ =	swait.ge [sflag:s10], $0x80  }
0x11: {  	[sflag:s10] =	ssyncset.done $0x0  }
0x12: {  	s31 =	sadd.s32 $0x0, s8;
	[sflag:s10] =	ssyncadd.s32 $0xFFFFFF80  }
0x13: {  	[tilespmem:s11], [sflag:$0x3] =	stream.linear.gather [hbm4b:s31+s3], $0x80, $0x38;
	[tilespmem:$0x8100] =	vst v63  }
0x14: {  	_ =	swait.ge [sflag:s10], $0x80  }
0x15: {  	[sflag:s10] =	ssyncset.done $0x0  }
0x16: {  	[sflag:s10] =	ssyncadd.s32 $0xFFFFFF80  }
0x17: {  	[tilespmem:s12], [sflag:$0x1] =	stream.indirect.gather [hbm4b:s2+s11], $0x80, s3, s11, $0xb8;
	[tilespmem:$0x8100] =	vst v63  }
0x18: {  	_ = 	snop  }
0x19: {  	[tilespmem:s13], [sflag:$0x2] =	stream.indirect.gather [hbm4b:s4+s11], $0x80, s11, s11, $0xb8;
	[tilespmem:$0x8100] =	vst v63  }
0x1a: {  	_ =	swait.ge [sflag:s14], $0x4000  }
0x1b: {  	[sflag:s14] =	ssyncset.done $0x0  }
0x1c: {  	[sflag:s14] =	ssyncadd.s32 $0xFFFFC000  }
0x1d: {  	_ =	swait.ge [sflag:s15], $0x4000  }
0x1e: {  	[sflag:s15] =	ssyncset.done $0x0  }
0x1f: {  	[sflag:s15] =	ssyncadd.s32 $0xFFFFC000  }
0x20: {  	[hbm4b:s6+s3] =	stream.linear.scatter [tilespmem:s12], [sflag:$0x3], $0x4000, $0x38;
	[tilespmem:$0x8100] =	vst v63  }
0x21: {  	_ =	swait.ge [sflag:s10], $0x4000  }
0x22: {  	[sflag:s10] =	ssyncset.done $0x0  }
0x23: {  	[sflag:s10] =	ssyncadd.s32 $0xFFFFC000  }
0x24: {  	[hbm4b:s7+s3] =	stream.linear.scatter [tilespmem:s13], [sflag:$0x3], $0x4000, $0x38;
	[tilespmem:$0x8100] =	vst v63  }
0x25: {  	s19 =	simm.s32 $0x10;
	s20 =	simm.s32 $0x20;
	_ =	swait.ge [sflag:s10], $0x4000  }
0x26: {  	s18 =	sadd.s32 $0x800, s6;
	s17 =	sadd.s32 $0x800, s7;
	[sflag:s10] =	ssyncset.done $0x0  }
.LBB2_2:
0x27: {  	s21 =	sadd.s32 s19, s9  }
0x28: {  	[sflag:s10] =	ssyncadd.s32 $0xFFFFC000;
	s22 =	smov.u32 s20;
	s23 =	sadd.s32 $0x10, s20  }
0x29: {  	[tilespmem:s3], [sflag:$0x3] =	stream.linear.gather [hbm4b:s21+s3], $0x80, $0x38;
	[tilespmem:$0x8100] =	vst v63  }
0x2a: {  	p0 =	sne.s32 s20, $0x130;
	_ =	swait.ge [sflag:s10], $0x80  }
0x2b: {  	[sflag:s10] =	ssyncset.done $0x0  }
0x2c: {  	s20 =	sadd.s32 s19, s8;
	s19 =	smov.u32 s22;
	[sflag:s10] =	ssyncadd.s32 $0xFFFFFF80  }
0x2d: {  	[tilespmem:s11], [sflag:$0x3] =	stream.linear.gather [hbm4b:s20+s3], $0x80, $0x38;
	[tilespmem:$0x8100] =	vst v63  }
0x2e: {  	_ =	swait.ge [sflag:s10], $0x80  }
0x2f: {  	[sflag:s10] =	ssyncset.done $0x0  }
0x30: {  	[sflag:s10] =	ssyncadd.s32 $0xFFFFFF80  }
0x31: {  	[tilespmem:s12], [sflag:$0x1] =	stream.indirect.gather [hbm4b:s2+s11], $0x80, s3, s11, $0xb8;
	[tilespmem:$0x8100] =	vst v63  }
0x32: {  	_ = 	snop  }
0x33: {  	[tilespmem:s13], [sflag:$0x2] =	stream.indirect.gather [hbm4b:s4+s11], $0x80, s11, s11, $0xb8;
	[tilespmem:$0x8100] =	vst v63  }
0x34: {  	_ =	swait.ge [sflag:s14], $0x4000  }
0x35: {  	[sflag:s14] =	ssyncset.done $0x0  }
0x36: {  	[sflag:s14] =	ssyncadd.s32 $0xFFFFC000  }
0x37: {  	_ =	swait.ge [sflag:s15], $0x4000  }
0x38: {  	[sflag:s15] =	ssyncset.done $0x0  }
0x39: {  	[sflag:s15] =	ssyncadd.s32 $0xFFFFC000  }
0x3a: {  	[hbm4b:s18+s3] =	stream.linear.scatter [tilespmem:s12], [sflag:$0x3], $0x4000, $0x38;
	[tilespmem:$0x8100] =	vst v63  }
0x3b: {  	_ =	swait.ge [sflag:s10], $0x4000  }
.Ltmp0:
0x3c: {  	[sflag:s10] =	ssyncset.done $0x0;
	(pc) =	sbr.rel @p0 .LBB2_2-.Ltmp0, $4  }
0x3d: {  	[sflag:s10] =	ssyncadd.s32 $0xFFFFC000  }
0x3e: {  	[hbm4b:s17+s3] =	stream.linear.scatter [tilespmem:s13], [sflag:$0x3], $0x4000, $0x38;
	[tilespmem:$0x8100] =	vst v63  }
0x3f: {  	s20 =	smov.u32 s23;
	_ =	swait.ge [sflag:s10], $0x4000  }
0x40: {  	s18 =	sadd.s32 $0x800, s18;
	s17 =	sadd.s32 $0x800, s17;
	[sflag:s10] =	ssyncset.done $0x0  }
0x41: {  	s20 =	sadd.s32 s19, s9;
	[sflag:s10] =	ssyncadd.s32 $0xFFFFC000  }
0x42: {  	[tilespmem:s3], [sflag:$0x3] =	stream.linear.gather [hbm4b:s20+s3], $0x80, $0x38;
	[tilespmem:$0x8100] =	vst v63  }
0x43: {  	_ =	swait.ge [sflag:s10], $0x80  }
0x44: {  	[sflag:s10] =	ssyncset.done $0x0  }
0x45: {  	s31 =	sadd.s32 s19, s8;
	[sflag:s10] =	ssyncadd.s32 $0xFFFFFF80  }
0x46: {  	[tilespmem:s11], [sflag:$0x3] =	stream.linear.gather [hbm4b:s31+s3], $0x80, $0x38;
	[tilespmem:$0x8100] =	vst v63  }
0x47: {  	_ =	swait.ge [sflag:s10], $0x80  }
0x48: {  	[sflag:s10] =	ssyncset.done $0x0  }
0x49: {  	[sflag:s10] =	ssyncadd.s32 $0xFFFFFF80  }
0x4a: {  	[tilespmem:s12], [sflag:$0x1] =	stream.indirect.gather [hbm4b:s2+s11], $0x80, s3, s11, $0xb8;
	[tilespmem:$0x8100] =	vst v63  }
0x4b: {  	_ = 	snop  }
0x4c: {  	[tilespmem:s13], [sflag:$0x2] =	stream.indirect.gather [hbm4b:s4+s11], $0x80, s11, s11, $0xb8;
	[tilespmem:$0x8100] =	vst v63  }
0x4d: {  	_ =	swait.ge [sflag:s14], $0x4000  }
0x4e: {  	[sflag:s14] =	ssyncset.done $0x0  }
0x4f: {  	[sflag:s14] =	ssyncadd.s32 $0xFFFFC000  }
0x50: {  	_ =	swait.ge [sflag:s15], $0x4000  }
0x51: {  	[sflag:s15] =	ssyncset.done $0x0  }
0x52: {  	[sflag:s15] =	ssyncadd.s32 $0xFFFFC000  }
0x53: {  	[hbm4b:s18+s3] =	stream.linear.scatter [tilespmem:s12], [sflag:$0x3], $0x4000, $0x38;
	[tilespmem:$0x8100] =	vst v63  }
0x54: {  	s16 =	sadd.s32 $0x1, s16;
	_ =	swait.ge [sflag:s10], $0x4000  }
0x55: {  	p0 =	sne.s32 s16, s5;
	[sflag:s10] =	ssyncset.done $0x0  }
.Ltmp1:
0x56: {  	[sflag:s10] =	ssyncadd.s32 $0xFFFFC000;
	(pc) =	sbr.rel @p0 .LBB2_1-.Ltmp1, $4  }
0x57: {  	[hbm4b:s17+s3] =	stream.linear.scatter [tilespmem:s13], [sflag:$0x3], $0x4000, $0x38;
	[tilespmem:$0x8100] =	vst v63  }
0x58: {  	_ =	swait.ge [sflag:s10], $0x4000  }
0x59: {  	[sflag:s10] =	ssyncset.done $0x0  }
0x5a: {  	[sflag:s10] =	ssyncadd.s32 $0xFFFFC000  }
0x5b: {  	_ =	sfence.sel $0x180000  }
0x5c: {  	[bflag:$0x0] =	sbarrier.arrive $0xFFFF  }
0x5d: {  	p0 =	sne.s32 s1, $0x0;
	_ =	strace $0x9000004D  }
0x5e: {  	s0 =	sadd.s32 @!p0 $0x100000, s0;
	[bflag:$0x2] =	sbarrier.arrive $0xFFFF  }
0x5f: {  	[sflag:s0] =	ssyncadd.tile.s32 @!p0 $0x1;
	_ =	shalt  }
.Lfunc_end2:
_tile_overlayer_lowered:
.L_overlay_start_2:
0x60: {  	(tag) =	ssettag $0x2  }
0x61: {  	s0 =	rddreg [dreg:$0x0];
	s2 =	stileid.u32  }
0x62: {  	s1 =	rddreg [dreg:$0x1];
	p0 =	sne.s32 s2, $0x0  }
0x63: {  	s3 =	rddreg [dreg:$0x2];
	[bflag:$0x3] =	sbarrier.arrive $0xFFFF;
	s2 =	simm.s32 @!p0 $0x1C03  }
0x64: {  	[timem:s3], [sflag:s2] =	dma.local @!p0 [hbm:s0], s1  }
0x65: {  	s0 =	simm.s32 @!p0 $0x3  }
0x66: {  	_ =	swait.ge @!p0 [sflag:s0], s1  }
0x67: {  	s1 =	ssub.s32 @!p0 $0x0, s1;
	[sflag:s0] =	ssyncset.done @!p0 $0x0  }
0x68: {  	[sflag:s0] =	ssyncadd.s32 @!p0 s1  }
0x69: {  	[bflag:$0x3] =	sbarrier.arrive $0xFFFF  }
0x6a: {  	_ =	shalt  }

</sc_bundles>
